<compile_context>
chip_gen: v7x
topology: tpu7x:2x2x1
jax: 0.10.2.dev20260603
libtpu: 0.0.44.dev20260713+nightly
codegen_flags: <defaults>
</compile_context>

<pallas_src>
import functools

import jax
import jax.numpy as jnp
from jax import lax
from jax.experimental import pallas as pl
from jax.experimental.pallas import tpu as pltpu
from jax.experimental.pallas import tpu_sc as plsc

SEQ = 2048
D_MODEL = 1024
D_FF = 4096
N_EXPERTS = 8

BM = 128
NB = SEQ // BM
FBLK = 1024
NFF = D_FF // FBLK
T_STEPS = NB + N_EXPERTS - 1
CHUNK = 256
NCHUNK = SEQ // CHUNK



def _router_body(lg_ref, pos_ref, cnt_ref):
    logits = lg_ref[...]
    rowmax = jnp.max(logits, axis=1, keepdims=True)
    e_iota = lax.broadcasted_iota(jnp.int32, (SEQ, N_EXPERTS), 1)
    is_max = logits == rowmax
    e_id = jnp.min(jnp.where(is_max, e_iota, N_EXPERTS), axis=1, keepdims=True)
    onehot = (e_iota == e_id).astype(jnp.float32)

    li = lax.broadcasted_iota(jnp.int32, (CHUNK, CHUNK), 0)
    lj = lax.broadcasted_iota(jnp.int32, (CHUNK, CHUNK), 1)
    ltri = (li >= lj).astype(jnp.float32)
    carry = jnp.zeros((1, N_EXPERTS), jnp.float32)
    pieces = []
    for c in range(NCHUNK):
        oh_c = onehot[c * CHUNK:(c + 1) * CHUNK, :]
        cc = jnp.dot(ltri, oh_c, preferred_element_type=jnp.float32)
        pieces.append(cc + carry)
        carry = carry + cc[CHUNK - 1:CHUNK, :]
    cincl = jnp.concatenate(pieces, axis=0)
    totals = carry

    mi = lax.broadcasted_iota(jnp.int32, (N_EXPERTS, N_EXPERTS), 0)
    mj = lax.broadcasted_iota(jnp.int32, (N_EXPERTS, N_EXPERTS), 1)
    tot_rows = jnp.broadcast_to(totals.reshape(N_EXPERTS, 1),
                                (N_EXPERTS, N_EXPERTS))
    offs = jnp.sum(jnp.where(mi < mj, tot_rows, 0.0), axis=0,
                   keepdims=True)

    pos = jnp.sum(onehot * (cincl + offs), axis=1, keepdims=True) - 1.0
    pos_ref[...] = pos.astype(jnp.int32)
    cnt_ref[...] = totals.astype(jnp.int32)


def _router_call(logits):
    return pl.pallas_call(
        _router_body,
        out_shape=(
            jax.ShapeDtypeStruct((SEQ, 1), jnp.int32),
            jax.ShapeDtypeStruct((1, N_EXPERTS), jnp.int32),
        ),
    )(logits)



_NC = 2
_NS = 16
_NW = _NC * _NS
_RPW = SEQ // _NW

@functools.lru_cache(maxsize=None)
def _sc_kernels():
    mesh = plsc.VectorSubcoreMesh(core_axis_name="c", subcore_axis_name="s")
    scratch = [
        pltpu.VMEM((_RPW,), jnp.int32),
        pltpu.VMEM((_RPW, D_MODEL), jnp.float32),
        pltpu.SemaphoreType.DMA,
    ]
    out_t = jax.ShapeDtypeStruct((SEQ, D_MODEL), jnp.float32)

    @functools.partial(pl.kernel, mesh=mesh, out_type=out_t,
                       scratch_types=scratch)
    def dispatch(x_hbm, pos_hbm, xs_hbm, idx_v, rows_v, sem):
        wid = lax.axis_index("s") * _NC + lax.axis_index("c")
        base = wid * _RPW
        pltpu.sync_copy(pos_hbm.at[pl.ds(base, _RPW)], idx_v)
        pltpu.sync_copy(x_hbm.at[pl.ds(base, _RPW)], rows_v)
        pltpu.async_copy(rows_v, xs_hbm.at[idx_v], sem).wait()

    @functools.partial(pl.kernel, mesh=mesh, out_type=out_t,
                       scratch_types=scratch)
    def combine(ys_hbm, pos_hbm, out_hbm, idx_v, rows_v, sem):
        wid = lax.axis_index("s") * _NC + lax.axis_index("c")
        base = wid * _RPW
        pltpu.sync_copy(pos_hbm.at[pl.ds(base, _RPW)], idx_v)
        pltpu.async_copy(ys_hbm.at[idx_v], rows_v, sem).wait()
        pltpu.sync_copy(rows_v, out_hbm.at[pl.ds(base, _RPW)])

    return dispatch, combine



def _mm_body(blk_ref, exp_ref, offs_ref, val_ref,
             xs_ref, g_ref, u_ref, d_ref, out_ref):
    f = pl.program_id(0)
    t = pl.program_id(1)
    e = exp_ref[t]
    blk = blk_ref[t]
    lo = offs_ref[e]
    hi = offs_ref[e + 1]
    row = blk * BM + lax.broadcasted_iota(jnp.int32, (BM, 1), 0)
    active = (row >= lo) & (row < hi) & (val_ref[t] > 0)
    x = jnp.where(active, xs_ref[pl.ds(blk * BM, BM), :], 0.0)
    g = jnp.dot(x, g_ref[0], preferred_element_type=jnp.float32)
    u = jnp.dot(x, u_ref[0], preferred_element_type=jnp.float32)
    h = (g * jax.nn.sigmoid(g)) * u
    y = jnp.dot(h, d_ref[0], preferred_element_type=jnp.float32)

    tm1 = jnp.maximum(t - 1, 0)
    first = (f == 0) & ((t == 0) | (blk != blk_ref[tm1]))

    @pl.when(first)
    def _():
        out_ref[pl.ds(blk * BM, BM), :] = y

    @pl.when(jnp.logical_not(first))
    def _():
        out_ref[pl.ds(blk * BM, BM), :] += y


def _mm_call(blk, exp, offs, valid, xs, gate_w, up_w, down_w):
    grid_spec = pltpu.PrefetchScalarGridSpec(
        num_scalar_prefetch=4,
        grid=(NFF, T_STEPS),
        in_specs=[
            pl.BlockSpec((SEQ, D_MODEL), lambda f, t, b, e, o, v: (0, 0)),
            pl.BlockSpec((1, D_MODEL, FBLK), lambda f, t, b, e, o, v: (e[t], 0, f)),
            pl.BlockSpec((1, D_MODEL, FBLK), lambda f, t, b, e, o, v: (e[t], 0, f)),
            pl.BlockSpec((1, FBLK, D_MODEL), lambda f, t, b, e, o, v: (e[t], f, 0)),
        ],
        out_specs=pl.BlockSpec((SEQ, D_MODEL), lambda f, t, b, e, o, v: (0, 0)),
    )
    return pl.pallas_call(
        _mm_body,
        grid_spec=grid_spec,
        out_shape=jax.ShapeDtypeStruct((SEQ, D_MODEL), jnp.float32),
        compiler_params=pltpu.CompilerParams(
            dimension_semantics=("arbitrary", "arbitrary"),
        ),
    )(blk, exp, offs, valid, xs, gate_w, up_w, down_w)



def _schedule(counts):
    counts = counts.reshape(N_EXPERTS).astype(jnp.int32)
    offs = jnp.concatenate(
        [jnp.zeros((1,), jnp.int32), jnp.cumsum(counts, dtype=jnp.int32)])
    first_blk = offs[:N_EXPERTS] // BM
    last_blk = jnp.where(counts > 0, (offs[1:] - 1) // BM, first_blk)
    ntiles = jnp.where(counts > 0, last_blk - first_blk + 1, 0)
    tstart = jnp.concatenate(
        [jnp.zeros((1,), jnp.int32), jnp.cumsum(ntiles, dtype=jnp.int32)])
    t = jnp.arange(T_STEPS, dtype=jnp.int32)
    e = jnp.clip(jnp.searchsorted(tstart, t, side="right").astype(jnp.int32) - 1,
                 0, N_EXPERTS - 1)
    blk = first_blk[e] + (t - tstart[e])
    valid = (t < tstart[N_EXPERTS]).astype(jnp.int32)
    blk = jnp.where(valid > 0, blk, NB - 1).astype(jnp.int32)
    e = jnp.where(valid > 0, e, N_EXPERTS - 1).astype(jnp.int32)
    return blk, e, offs, valid



def kernel(hidden_states, router_w, gate_w, up_w, down_w):
    x = hidden_states.reshape(SEQ, D_MODEL)
    logits = jnp.einsum('sbd,de->sbe', hidden_states, router_w)
    pos2, cnt = _router_call(logits.reshape(SEQ, N_EXPERTS))
    pos = pos2.reshape(SEQ)
    blk, exp, offs, valid = _schedule(cnt)
    dispatch, combine = _sc_kernels()
    xs = dispatch(x, pos)
    ys = _mm_call(blk, exp, offs, valid, xs, gate_w, up_w, down_w)
    out = combine(ys, pos)
    return out.reshape(SEQ, 1, D_MODEL)

# --- scband reference (transcript-rebuilt; emitter-appended) ---
"""Pipeline reference for scband-llama4-model-87222195847677 (READ-ONLY COPY).

The authoritative reference and input builder live on the scoring server;
editing this copy changes nothing except your own understanding.
"""

import jax, jax.numpy as jnp
import numpy as np

SEQ, BS, D_MODEL = 2048, 1, 1024
D_FF = 4096
N_EXPERTS = 8
TOP_K = 1


def setup_inputs(seed: int = 0) -> dict:
    key = jax.random.key(seed)
    ks = jax.random.split(key, 5)
    hidden_states = jax.random.normal(ks[0], (SEQ, BS, D_MODEL), dtype=jnp.float32)
    router_w = jax.random.normal(ks[1], (D_MODEL, N_EXPERTS), dtype=jnp.float32) * (1.0 / np.sqrt(D_MODEL))
    gate_w = jax.random.normal(ks[2], (N_EXPERTS, D_MODEL, D_FF), dtype=jnp.float32) * (1.0 / np.sqrt(D_MODEL))
    up_w = jax.random.normal(ks[3], (N_EXPERTS, D_MODEL, D_FF), dtype=jnp.float32) * (1.0 / np.sqrt(D_MODEL))
    down_w = jax.random.normal(ks[4], (N_EXPERTS, D_FF, D_MODEL), dtype=jnp.float32) * (1.0 / np.sqrt(D_FF))
    return {"hidden_states": hidden_states, "router_w": router_w, "gate_w": gate_w, "up_w": up_w, "down_w": down_w}


def reference(hidden_states, router_w, gate_w, up_w, down_w):
    # _compute_router_probabilities: router logits -> top-1 expert per token
    router_logits = jnp.einsum('sbd,de->sbe', hidden_states, router_w)
    routing_vals, routing_idx = jax.lax.top_k(router_logits, TOP_K)
    routing_indices = routing_idx[..., 0]          # [seq, bs] (rearrange 'seq bs 1 -> seq bs')
    routing_weights = jax.nn.sigmoid(routing_vals[..., 0])  # computed but NOT applied (faithful to original)
    # dispatch + expert MLP (SwiGLU) + combine; dense masked form is mathematically
    # identical to boolean-mask dispatch since the MLP is per-token
    out = jnp.zeros_like(hidden_states)
    for e in range(N_EXPERTS):
        mask = (routing_indices == e).astype(hidden_states.dtype)[..., None]  # [seq, bs, 1]
        g = jnp.einsum('sbd,df->sbf', hidden_states, gate_w[e])
        u = jnp.einsum('sbd,df->sbf', hidden_states, up_w[e])
        y = jnp.einsum('sbf,fd->sbd', jax.nn.silu(g) * u, down_w[e])
        out = out + mask * y
    return out


if False:  # reference __main__ guard neutralized (emitter)
    inp = setup_inputs()
    o = reference(**inp)
    print(o.shape, o.dtype)

if __name__ == "__main__":
    import jax
    _d = setup_inputs()
    print(jax.jit(kernel)(*tuple(_d.values())))

</pallas_src>

<mosaic_0001>
#map = affine_map<(d0, d1) -> (0, 0)>
#map1 = affine_map<(d0, d1) -> (0)>
module attributes {stable_mosaic.version = 14 : i64} {
  func.func @dispatch(%arg0: i32, %arg1: i32, %arg2: memref<2048x1024xf32, #tpu.memory_space<hbm>>, %arg3: memref<2048xi32, #tpu.memory_space<hbm>>, %arg4: memref<2048x1024xf32, #tpu.memory_space<hbm>>, %arg5: memref<64xi32, #tpu.memory_space<vmem>>, %arg6: memref<64x1024xf32, #tpu.memory_space<vmem>>, %arg7: memref<!tpu.dma_semaphore, #tpu.memory_space<semaphore_mem>>) attributes {dimension_semantics = [#tpu.dimension_semantics<core_parallel>, #tpu.dimension_semantics<subcore_parallel>], iteration_bounds = array<i64: 2, 16>, scalar_prefetch = 0 : i64, scratch_operands = 3 : i64, tpu.core_type = #tpu.core_type<sc_vector_subcore>, window_params = [{transform_indices = #map}, {transform_indices = #map1}, {transform_indices = #map}]} {
    %mul3A = arith.constant 2 : i32
    %mul3A_0 = arith.muli %arg1, %mul3A : i32
    %add3A = arith.addi %mul3A_0, %arg0 : i32
    %mul3A_1 = arith.constant 64 : i32
    %mul3A_2 = arith.muli %add3A, %mul3A_1 : i32
    "tpu.region"() ({
      %run_scoped3A = tpu.sem_alloc : memref<!tpu.dma_semaphore, #tpu.memory_space<semaphore_mem>>
      %dma_start3A_7 = tpu.memref_slice %arg3[%mul3A_2] : memref<2048xi32, #tpu.memory_space<hbm>> -> memref<64xi32, #tpu.memory_space<hbm>>
      %dma_start3A_8 = tpu.memref_slice %arg3[%mul3A_2] : memref<2048xi32, #tpu.memory_space<hbm>> -> memref<64xi32, #tpu.memory_space<hbm>>
      tpu.enqueue_dma source(%dma_start3A_8 : memref<64xi32, #tpu.memory_space<hbm>>) target(%arg5 : memref<64xi32, #tpu.memory_space<vmem>>) target_semaphore(%run_scoped3A : memref<!tpu.dma_semaphore, #tpu.memory_space<semaphore_mem>>)
      %dma_wait3A_9 = tpu.memref_slice %arg3[%mul3A_2] : memref<2048xi32, #tpu.memory_space<hbm>> -> memref<64xi32, #tpu.memory_space<hbm>>
      %dma_wait3A_10 = tpu.memref_slice %arg3[%mul3A_2] : memref<2048xi32, #tpu.memory_space<hbm>> -> memref<64xi32, #tpu.memory_space<hbm>>
      tpu.wait_dma2 semaphore(%run_scoped3A : memref<!tpu.dma_semaphore, #tpu.memory_space<semaphore_mem>>) src(%dma_wait3A_10 : memref<64xi32, #tpu.memory_space<hbm>>) dst(%arg5 : memref<64xi32, #tpu.memory_space<vmem>>)
      tpu.yield
    }) : () -> ()
    "tpu.region"() ({
      %run_scoped3A = tpu.sem_alloc : memref<!tpu.dma_semaphore, #tpu.memory_space<semaphore_mem>>
      %dma_start3A_7 = arith.constant 0 : i32
      %dma_start3A_8 = tpu.memref_slice %arg2[%mul3A_2, %dma_start3A_7] : memref<2048x1024xf32, #tpu.memory_space<hbm>> -> memref<64x1024xf32, #tpu.memory_space<hbm>>
      %dma_start3A_9 = arith.constant 0 : i32
      %dma_start3A_10 = tpu.memref_slice %arg2[%mul3A_2, %dma_start3A_9] : memref<2048x1024xf32, #tpu.memory_space<hbm>> -> memref<64x1024xf32, #tpu.memory_space<hbm>>
      tpu.enqueue_dma source(%dma_start3A_10 : memref<64x1024xf32, #tpu.memory_space<hbm>>) target(%arg6 : memref<64x1024xf32, #tpu.memory_space<vmem>>) target_semaphore(%run_scoped3A : memref<!tpu.dma_semaphore, #tpu.memory_space<semaphore_mem>>)
      %dma_wait3A_11 = arith.constant 0 : i32
      %dma_wait3A_12 = tpu.memref_slice %arg2[%mul3A_2, %dma_wait3A_11] : memref<2048x1024xf32, #tpu.memory_space<hbm>> -> memref<64x1024xf32, #tpu.memory_space<hbm>>
      %dma_wait3A_13 = arith.constant 0 : i32
      %dma_wait3A_14 = tpu.memref_slice %arg2[%mul3A_2, %dma_wait3A_13] : memref<2048x1024xf32, #tpu.memory_space<hbm>> -> memref<64x1024xf32, #tpu.memory_space<hbm>>
      tpu.wait_dma2 semaphore(%run_scoped3A : memref<!tpu.dma_semaphore, #tpu.memory_space<semaphore_mem>>) src(%dma_wait3A_14 : memref<64x1024xf32, #tpu.memory_space<hbm>>) dst(%arg6 : memref<64x1024xf32, #tpu.memory_space<vmem>>)
      tpu.yield
    }) : () -> ()
    %dma_start3A = arith.constant 0 : i32
    %dma_start3A_3 = arith.constant 0 : i32
    %dma_start3A_4 = tpu.memref_slice %arg4[%dma_start3A, %dma_start3A_3] : memref<2048x1024xf32, #tpu.memory_space<hbm>> -> memref<2048x1024xf32, #tpu.memory_space<hbm>>
    tpu.enqueue_indirect_dma source(%arg6 : memref<64x1024xf32, #tpu.memory_space<vmem>>) target(%dma_start3A_4 : memref<2048x1024xf32, #tpu.memory_space<hbm>>) offsets(%arg5 : memref<64xi32, #tpu.memory_space<vmem>>) semaphore(%arg7 : memref<!tpu.dma_semaphore, #tpu.memory_space<semaphore_mem>>)
    %dma_wait3A = arith.constant 0 : i32
    %dma_wait3A_5 = arith.constant 0 : i32
    %dma_wait3A_6 = tpu.memref_slice %arg4[%dma_wait3A, %dma_wait3A_5] : memref<2048x1024xf32, #tpu.memory_space<hbm>> -> memref<2048x1024xf32, #tpu.memory_space<hbm>>
    tpu.wait_indirect_dma semaphore(%arg7 : memref<!tpu.dma_semaphore, #tpu.memory_space<semaphore_mem>>) src(%arg6 : memref<64x1024xf32, #tpu.memory_space<vmem>>) dst(%dma_wait3A_6 : memref<2048x1024xf32, #tpu.memory_space<hbm>>)
    return
  }
}

#map = affine_map<(d0, d1) -> (0, 0)>
#map1 = affine_map<(d0, d1) -> (0)>
module attributes {stable_mosaic.version = 14 : i64} {
  func.func @combine(%arg0: i32, %arg1: i32, %arg2: memref<2048x1024xf32, #tpu.memory_space<hbm>>, %arg3: memref<2048xi32, #tpu.memory_space<hbm>>, %arg4: memref<2048x1024xf32, #tpu.memory_space<hbm>>, %arg5: memref<64xi32, #tpu.memory_space<vmem>>, %arg6: memref<64x1024xf32, #tpu.memory_space<vmem>>, %arg7: memref<!tpu.dma_semaphore, #tpu.memory_space<semaphore_mem>>) attributes {dimension_semantics = [#tpu.dimension_semantics<core_parallel>, #tpu.dimension_semantics<subcore_parallel>], iteration_bounds = array<i64: 2, 16>, scalar_prefetch = 0 : i64, scratch_operands = 3 : i64, tpu.core_type = #tpu.core_type<sc_vector_subcore>, window_params = [{transform_indices = #map}, {transform_indices = #map1}, {transform_indices = #map}]} {
    %mul3A = arith.constant 2 : i32
    %mul3A_0 = arith.muli %arg1, %mul3A : i32
    %add3A = arith.addi %mul3A_0, %arg0 : i32
    %mul3A_1 = arith.constant 64 : i32
    %mul3A_2 = arith.muli %add3A, %mul3A_1 : i32
    "tpu.region"() ({
      %run_scoped3A = tpu.sem_alloc : memref<!tpu.dma_semaphore, #tpu.memory_space<semaphore_mem>>
      %dma_start3A_7 = tpu.memref_slice %arg3[%mul3A_2] : memref<2048xi32, #tpu.memory_space<hbm>> -> memref<64xi32, #tpu.memory_space<hbm>>
      %dma_start3A_8 = tpu.memref_slice %arg3[%mul3A_2] : memref<2048xi32, #tpu.memory_space<hbm>> -> memref<64xi32, #tpu.memory_space<hbm>>
      tpu.enqueue_dma source(%dma_start3A_8 : memref<64xi32, #tpu.memory_space<hbm>>) target(%arg5 : memref<64xi32, #tpu.memory_space<vmem>>) target_semaphore(%run_scoped3A : memref<!tpu.dma_semaphore, #tpu.memory_space<semaphore_mem>>)
      %dma_wait3A_9 = tpu.memref_slice %arg3[%mul3A_2] : memref<2048xi32, #tpu.memory_space<hbm>> -> memref<64xi32, #tpu.memory_space<hbm>>
      %dma_wait3A_10 = tpu.memref_slice %arg3[%mul3A_2] : memref<2048xi32, #tpu.memory_space<hbm>> -> memref<64xi32, #tpu.memory_space<hbm>>
      tpu.wait_dma2 semaphore(%run_scoped3A : memref<!tpu.dma_semaphore, #tpu.memory_space<semaphore_mem>>) src(%dma_wait3A_10 : memref<64xi32, #tpu.memory_space<hbm>>) dst(%arg5 : memref<64xi32, #tpu.memory_space<vmem>>)
      tpu.yield
    }) : () -> ()
    %dma_start3A = arith.constant 0 : i32
    %dma_start3A_3 = arith.constant 0 : i32
    %dma_start3A_4 = tpu.memref_slice %arg2[%dma_start3A, %dma_start3A_3] : memref<2048x1024xf32, #tpu.memory_space<hbm>> -> memref<2048x1024xf32, #tpu.memory_space<hbm>>
    tpu.enqueue_indirect_dma source(%dma_start3A_4 : memref<2048x1024xf32, #tpu.memory_space<hbm>>) target(%arg6 : memref<64x1024xf32, #tpu.memory_space<vmem>>) offsets(%arg5 : memref<64xi32, #tpu.memory_space<vmem>>) semaphore(%arg7 : memref<!tpu.dma_semaphore, #tpu.memory_space<semaphore_mem>>)
    %dma_wait3A = arith.constant 0 : i32
    %dma_wait3A_5 = arith.constant 0 : i32
    %dma_wait3A_6 = tpu.memref_slice %arg2[%dma_wait3A, %dma_wait3A_5] : memref<2048x1024xf32, #tpu.memory_space<hbm>> -> memref<2048x1024xf32, #tpu.memory_space<hbm>>
    tpu.wait_indirect_dma semaphore(%arg7 : memref<!tpu.dma_semaphore, #tpu.memory_space<semaphore_mem>>) src(%dma_wait3A_6 : memref<2048x1024xf32, #tpu.memory_space<hbm>>) dst(%arg6 : memref<64x1024xf32, #tpu.memory_space<vmem>>)
    "tpu.region"() ({
      %run_scoped3A = tpu.sem_alloc : memref<!tpu.dma_semaphore, #tpu.memory_space<semaphore_mem>>
      %dma_start3A_7 = arith.constant 0 : i32
      %dma_start3A_8 = tpu.memref_slice %arg4[%mul3A_2, %dma_start3A_7] : memref<2048x1024xf32, #tpu.memory_space<hbm>> -> memref<64x1024xf32, #tpu.memory_space<hbm>>
      %dma_start3A_9 = arith.constant 0 : i32
      %dma_start3A_10 = tpu.memref_slice %arg4[%mul3A_2, %dma_start3A_9] : memref<2048x1024xf32, #tpu.memory_space<hbm>> -> memref<64x1024xf32, #tpu.memory_space<hbm>>
      tpu.enqueue_dma source(%arg6 : memref<64x1024xf32, #tpu.memory_space<vmem>>) target(%dma_start3A_10 : memref<64x1024xf32, #tpu.memory_space<hbm>>) target_semaphore(%run_scoped3A : memref<!tpu.dma_semaphore, #tpu.memory_space<semaphore_mem>>)
      %dma_wait3A_11 = arith.constant 0 : i32
      %dma_wait3A_12 = tpu.memref_slice %arg4[%mul3A_2, %dma_wait3A_11] : memref<2048x1024xf32, #tpu.memory_space<hbm>> -> memref<64x1024xf32, #tpu.memory_space<hbm>>
      %dma_wait3A_13 = arith.constant 0 : i32
      %dma_wait3A_14 = tpu.memref_slice %arg4[%mul3A_2, %dma_wait3A_13] : memref<2048x1024xf32, #tpu.memory_space<hbm>> -> memref<64x1024xf32, #tpu.memory_space<hbm>>
      tpu.wait_dma2 semaphore(%run_scoped3A : memref<!tpu.dma_semaphore, #tpu.memory_space<semaphore_mem>>) src(%arg6 : memref<64x1024xf32, #tpu.memory_space<vmem>>) dst(%dma_wait3A_14 : memref<64x1024xf32, #tpu.memory_space<hbm>>)
      tpu.yield
    }) : () -> ()
    return
  }
}

module attributes {stable_mosaic.version = 14 : i64} {
  func.func @_router_body(%arg0: memref<2048x8xf32, #tpu.memory_space<vmem>>, %arg1: memref<2048x1xi32, #tpu.memory_space<vmem>>, %arg2: memref<1x8xi32, #tpu.memory_space<vmem>>) attributes {dimension_semantics = [], scalar_prefetch = 0 : i64, scratch_operands = 0 : i64, tpu.core_type = #tpu.core_type<tc>} {
    %get3A = arith.constant 0 : index
    %get3A_0 = arith.constant 0 : index
    %get3A_1 = vector.load %arg0[%get3A, %get3A_0] : memref<2048x8xf32, #tpu.memory_space<vmem>>, vector<2048x8xf32>
    %reduce_max3A = arith.constant dense<0xFF800000> : vector<2048xf32>
    %reduce_max3A_2 = vector.multi_reduction <maximumf>, %get3A_1, %reduce_max3A [1] : vector<2048x8xf32> to vector<2048xf32>
    %broadcast_in_dim3A = vector.shape_cast %reduce_max3A_2 : vector<2048xf32> to vector<2048x1xf32>
    %iota3A = tpu.iota {dimensions = array<i32: 1>} : vector<2048x8xi32>
    %eq3A = vector.broadcast %broadcast_in_dim3A : vector<2048x1xf32> to vector<2048x8xf32>
    %eq3A_3 = arith.cmpf oeq, %get3A_1, %eq3A : vector<2048x8xf32>
    %jit3A = arith.constant 8 : i32
    %broadcast_in_dim3A_4 = vector.broadcast %jit3A : i32 to vector<2048x8xi32>
    %select_n3A = arith.select %eq3A_3, %iota3A, %broadcast_in_dim3A_4 : vector<2048x8xi1>, vector<2048x8xi32>
    %reduce_min3A = arith.constant dense<2147483647> : vector<2048xi32>
    %reduce_min3A_5 = vector.multi_reduction <minsi>, %select_n3A, %reduce_min3A [1] : vector<2048x8xi32> to vector<2048xi32>
    %broadcast_in_dim3A_6 = vector.shape_cast %reduce_min3A_5 : vector<2048xi32> to vector<2048x1xi32>
    %eq3A_7 = vector.broadcast %broadcast_in_dim3A_6 : vector<2048x1xi32> to vector<2048x8xi32>
    %eq3A_8 = arith.cmpi eq, %iota3A, %eq3A_7 : vector<2048x8xi32>
    %convert_element_type3A = arith.extui %eq3A_8 : vector<2048x8xi1> to vector<2048x8xi32>
    %convert_element_type3A_9 = arith.sitofp %convert_element_type3A : vector<2048x8xi32> to vector<2048x8xf32>
    %iota3A_10 = tpu.iota {dimensions = array<i32: 0>} : vector<256x256xi32>
    %iota3A_11 = tpu.iota {dimensions = array<i32: 1>} : vector<256x256xi32>
    %ge3A = arith.cmpi sge, %iota3A_10, %iota3A_11 : vector<256x256xi32>
    %convert_element_type3A_12 = arith.extui %ge3A : vector<256x256xi1> to vector<256x256xi32>
    %convert_element_type3A_13 = arith.sitofp %convert_element_type3A_12 : vector<256x256xi32> to vector<256x256xf32>
    %broadcast_in_dim3A_14 = arith.constant 0.000000e+00 : f32
    %broadcast_in_dim3A_15 = vector.broadcast %broadcast_in_dim3A_14 : f32 to vector<1x8xf32>
    %slice3A = vector.extract_strided_slice %convert_element_type3A_9 {offsets = [0, 0], sizes = [256, 8], strides = [1, 1]} : vector<2048x8xf32> to vector<256x8xf32>
    %dot_general3A = arith.constant dense<0.000000e+00> : vector<256x8xf32>
    %dot_general3A_16 = tpu.matmul %convert_element_type3A_13, %slice3A, %dot_general3A {dimension_numbers = #tpu.dot_dimension_numbers<[1], [0], [0], [1], [0, 0, 1, 1], [], []>, transpose_lhs_hint = false} : vector<256x256xf32>, vector<256x8xf32>, vector<256x8xf32> -> vector<256x8xf32>
    %add3A = vector.broadcast %broadcast_in_dim3A_15 : vector<1x8xf32> to vector<256x8xf32>
    %add3A_17 = arith.addf %dot_general3A_16, %add3A : vector<256x8xf32>
    %slice3A_18 = vector.extract_strided_slice %dot_general3A_16 {offsets = [255, 0], sizes = [1, 8], strides = [1, 1]} : vector<256x8xf32> to vector<1x8xf32>
    %add3A_19 = arith.addf %broadcast_in_dim3A_15, %slice3A_18 : vector<1x8xf32>
    %slice3A_20 = vector.extract_strided_slice %convert_element_type3A_9 {offsets = [256, 0], sizes = [256, 8], strides = [1, 1]} : vector<2048x8xf32> to vector<256x8xf32>
    %dot_general3A_21 = arith.constant dense<0.000000e+00> : vector<256x8xf32>
    %dot_general3A_22 = tpu.matmul %convert_element_type3A_13, %slice3A_20, %dot_general3A_21 {dimension_numbers = #tpu.dot_dimension_numbers<[1], [0], [0], [1], [0, 0, 1, 1], [], []>, transpose_lhs_hint = false} : vector<256x256xf32>, vector<256x8xf32>, vector<256x8xf32> -> vector<256x8xf32>
    %add3A_23 = vector.broadcast %add3A_19 : vector<1x8xf32> to vector<256x8xf32>
    %add3A_24 = arith.addf %dot_general3A_22, %add3A_23 : vector<256x8xf32>
    %slice3A_25 = vector.extract_strided_slice %dot_general3A_22 {offsets = [255, 0], sizes = [1, 8], strides = [1, 1]} : vector<256x8xf32> to vector<1x8xf32>
    %add3A_26 = arith.addf %add3A_19, %slice3A_25 : vector<1x8xf32>
    %slice3A_27 = vector.extract_strided_slice %convert_element_type3A_9 {offsets = [512, 0], sizes = [256, 8], strides = [1, 1]} : vector<2048x8xf32> to vector<256x8xf32>
    %dot_general3A_28 = arith.constant dense<0.000000e+00> : vector<256x8xf32>
    %dot_general3A_29 = tpu.matmul %convert_element_type3A_13, %slice3A_27, %dot_general3A_28 {dimension_numbers = #tpu.dot_dimension_numbers<[1], [0], [0], [1], [0, 0, 1, 1], [], []>, transpose_lhs_hint = false} : vector<256x256xf32>, vector<256x8xf32>, vector<256x8xf32> -> vector<256x8xf32>
    %add3A_30 = vector.broadcast %add3A_26 : vector<1x8xf32> to vector<256x8xf32>
    %add3A_31 = arith.addf %dot_general3A_29, %add3A_30 : vector<256x8xf32>
    %slice3A_32 = vector.extract_strided_slice %dot_general3A_29 {offsets = [255, 0], sizes = [1, 8], strides = [1, 1]} : vector<256x8xf32> to vector<1x8xf32>
    %add3A_33 = arith.addf %add3A_26, %slice3A_32 : vector<1x8xf32>
    %slice3A_34 = vector.extract_strided_slice %convert_element_type3A_9 {offsets = [768, 0], sizes = [256, 8], strides = [1, 1]} : vector<2048x8xf32> to vector<256x8xf32>
    %dot_general3A_35 = arith.constant dense<0.000000e+00> : vector<256x8xf32>
    %dot_general3A_36 = tpu.matmul %convert_element_type3A_13, %slice3A_34, %dot_general3A_35 {dimension_numbers = #tpu.dot_dimension_numbers<[1], [0], [0], [1], [0, 0, 1, 1], [], []>, transpose_lhs_hint = false} : vector<256x256xf32>, vector<256x8xf32>, vector<256x8xf32> -> vector<256x8xf32>
    %add3A_37 = vector.broadcast %add3A_33 : vector<1x8xf32> to vector<256x8xf32>
    %add3A_38 = arith.addf %dot_general3A_36, %add3A_37 : vector<256x8xf32>
    %slice3A_39 = vector.extract_strided_slice %dot_general3A_36 {offsets = [255, 0], sizes = [1, 8], strides = [1, 1]} : vector<256x8xf32> to vector<1x8xf32>
    %add3A_40 = arith.addf %add3A_33, %slice3A_39 : vector<1x8xf32>
    %slice3A_41 = vector.extract_strided_slice %convert_element_type3A_9 {offsets = [1024, 0], sizes = [256, 8], strides = [1, 1]} : vector<2048x8xf32> to vector<256x8xf32>
    %dot_general3A_42 = arith.constant dense<0.000000e+00> : vector<256x8xf32>
    %dot_general3A_43 = tpu.matmul %convert_element_type3A_13, %slice3A_41, %dot_general3A_42 {dimension_numbers = #tpu.dot_dimension_numbers<[1], [0], [0], [1], [0, 0, 1, 1], [], []>, transpose_lhs_hint = false} : vector<256x256xf32>, vector<256x8xf32>, vector<256x8xf32> -> vector<256x8xf32>
    %add3A_44 = vector.broadcast %add3A_40 : vector<1x8xf32> to vector<256x8xf32>
    %add3A_45 = arith.addf %dot_general3A_43, %add3A_44 : vector<256x8xf32>
    %slice3A_46 = vector.extract_strided_slice %dot_general3A_43 {offsets = [255, 0], sizes = [1, 8], strides = [1, 1]} : vector<256x8xf32> to vector<1x8xf32>
    %add3A_47 = arith.addf %add3A_40, %slice3A_46 : vector<1x8xf32>
    %slice3A_48 = vector.extract_strided_slice %convert_element_type3A_9 {offsets = [1280, 0], sizes = [256, 8], strides = [1, 1]} : vector<2048x8xf32> to vector<256x8xf32>
    %dot_general3A_49 = arith.constant dense<0.000000e+00> : vector<256x8xf32>
    %dot_general3A_50 = tpu.matmul %convert_element_type3A_13, %slice3A_48, %dot_general3A_49 {dimension_numbers = #tpu.dot_dimension_numbers<[1], [0], [0], [1], [0, 0, 1, 1], [], []>, transpose_lhs_hint = false} : vector<256x256xf32>, vector<256x8xf32>, vector<256x8xf32> -> vector<256x8xf32>
    %add3A_51 = vector.broadcast %add3A_47 : vector<1x8xf32> to vector<256x8xf32>
    %add3A_52 = arith.addf %dot_general3A_50, %add3A_51 : vector<256x8xf32>
    %slice3A_53 = vector.extract_strided_slice %dot_general3A_50 {offsets = [255, 0], sizes = [1, 8], strides = [1, 1]} : vector<256x8xf32> to vector<1x8xf32>
    %add3A_54 = arith.addf %add3A_47, %slice3A_53 : vector<1x8xf32>
    %slice3A_55 = vector.extract_strided_slice %convert_element_type3A_9 {offsets = [1536, 0], sizes = [256, 8], strides = [1, 1]} : vector<2048x8xf32> to vector<256x8xf32>
    %dot_general3A_56 = arith.constant dense<0.000000e+00> : vector<256x8xf32>
    %dot_general3A_57 = tpu.matmul %convert_element_type3A_13, %slice3A_55, %dot_general3A_56 {dimension_numbers = #tpu.dot_dimension_numbers<[1], [0], [0], [1], [0, 0, 1, 1], [], []>, transpose_lhs_hint = false} : vector<256x256xf32>, vector<256x8xf32>, vector<256x8xf32> -> vector<256x8xf32>
    %add3A_58 = vector.broadcast %add3A_54 : vector<1x8xf32> to vector<256x8xf32>
    %add3A_59 = arith.addf %dot_general3A_57, %add3A_58 : vector<256x8xf32>
    %slice3A_60 = vector.extract_strided_slice %dot_general3A_57 {offsets = [255, 0], sizes = [1, 8], strides = [1, 1]} : vector<256x8xf32> to vector<1x8xf32>
    %add3A_61 = arith.addf %add3A_54, %slice3A_60 : vector<1x8xf32>
    %slice3A_62 = vector.extract_strided_slice %convert_element_type3A_9 {offsets = [1792, 0], sizes = [256, 8], strides = [1, 1]} : vector<2048x8xf32> to vector<256x8xf32>
    %dot_general3A_63 = arith.constant dense<0.000000e+00> : vector<256x8xf32>
    %dot_general3A_64 = tpu.matmul %convert_element_type3A_13, %slice3A_62, %dot_general3A_63 {dimension_numbers = #tpu.dot_dimension_numbers<[1], [0], [0], [1], [0, 0, 1, 1], [], []>, transpose_lhs_hint = false} : vector<256x256xf32>, vector<256x8xf32>, vector<256x8xf32> -> vector<256x8xf32>
    %add3A_65 = vector.broadcast %add3A_61 : vector<1x8xf32> to vector<256x8xf32>
    %add3A_66 = arith.addf %dot_general3A_64, %add3A_65 : vector<256x8xf32>
    %slice3A_67 = vector.extract_strided_slice %dot_general3A_64 {offsets = [255, 0], sizes = [1, 8], strides = [1, 1]} : vector<256x8xf32> to vector<1x8xf32>
    %add3A_68 = arith.addf %add3A_61, %slice3A_67 : vector<1x8xf32>
    %concatenate3A = tpu.concatenate %add3A_17, %add3A_24, %add3A_31, %add3A_38, %add3A_45, %add3A_52, %add3A_59, %add3A_66 in 0 : vector<256x8xf32>, vector<256x8xf32>, vector<256x8xf32>, vector<256x8xf32>, vector<256x8xf32>, vector<256x8xf32>, vector<256x8xf32>, vector<256x8xf32> -> vector<2048x8xf32>
    %iota3A_69 = tpu.iota {dimensions = array<i32: 0>} : vector<8x8xi32>
    %iota3A_70 = tpu.iota {dimensions = array<i32: 1>} : vector<8x8xi32>
    %reshape3A = vector.shape_cast %add3A_68 : vector<1x8xf32> to vector<8x1xf32>
    %broadcast_in_dim3A_71 = vector.shape_cast %reshape3A : vector<8x1xf32> to vector<8x1xf32>
    %broadcast_in_dim3A_72 = vector.broadcast %broadcast_in_dim3A_71 : vector<8x1xf32> to vector<8x8xf32>
    %lt3A = arith.cmpi slt, %iota3A_69, %iota3A_70 : vector<8x8xi32>
    %jit3A_73 = arith.constant 0.000000e+00 : f32
    %broadcast_in_dim3A_74 = vector.broadcast %jit3A_73 : f32 to vector<8x8xf32>
    %select_n3A_75 = arith.select %lt3A, %broadcast_in_dim3A_72, %broadcast_in_dim3A_74 : vector<8x8xi1>, vector<8x8xf32>
    %reduce_sum3A = arith.constant dense<0.000000e+00> : vector<8xf32>
    %reduce_sum3A_76 = vector.multi_reduction <add>, %select_n3A_75, %reduce_sum3A [0] : vector<8x8xf32> to vector<8xf32>
    %broadcast_in_dim3A_77 = vector.shape_cast %reduce_sum3A_76 : vector<8xf32> to vector<1x8xf32>
    %add3A_78 = vector.broadcast %broadcast_in_dim3A_77 : vector<1x8xf32> to vector<2048x8xf32>
    %add3A_79 = arith.addf %concatenate3A, %add3A_78 : vector<2048x8xf32>
    %mul3A = arith.mulf %convert_element_type3A_9, %add3A_79 : vector<2048x8xf32>
    %reduce_sum3A_80 = arith.constant dense<0.000000e+00> : vector<2048xf32>
    %reduce_sum3A_81 = vector.multi_reduction <add>, %mul3A, %reduce_sum3A_80 [1] : vector<2048x8xf32> to vector<2048xf32>
    %broadcast_in_dim3A_82 = vector.shape_cast %reduce_sum3A_81 : vector<2048xf32> to vector<2048x1xf32>
    %sub3A = arith.constant 1.000000e+00 : f32
    %sub3A_83 = vector.broadcast %sub3A : f32 to vector<2048x1xf32>
    %sub3A_84 = arith.subf %broadcast_in_dim3A_82, %sub3A_83 : vector<2048x1xf32>
    %convert_element_type3A_85 = arith.fptosi %sub3A_84 : vector<2048x1xf32> to vector<2048x1xi32>
    %swap3A = arith.constant 0 : index
    %swap3A_86 = arith.constant 0 : index
    %swap3A_87 = vector.load %arg1[%swap3A, %swap3A_86] : memref<2048x1xi32, #tpu.memory_space<vmem>>, vector<2048x1xi32>
    tpu.vector_store %arg1[%swap3A, %swap3A_86], %convert_element_type3A_85 {strides = array<i32>} : memref<2048x1xi32, #tpu.memory_space<vmem>>, vector<2048x1xi32>,
    %convert_element_type3A_88 = arith.fptosi %add3A_68 : vector<1x8xf32> to vector<1x8xi32>
    %swap3A_89 = arith.constant 0 : index
    %swap3A_90 = arith.constant 0 : index
    %swap3A_91 = vector.load %arg2[%swap3A_89, %swap3A_90] : memref<1x8xi32, #tpu.memory_space<vmem>>, vector<1x8xi32>
    tpu.vector_store %arg2[%swap3A_89, %swap3A_90], %convert_element_type3A_88 {strides = array<i32>} : memref<1x8xi32, #tpu.memory_space<vmem>>, vector<1x8xi32>,
    return
  }
}

module attributes {stable_mosaic.version = 14 : i64} {
  func.func @_mm_body(%arg0: i32, %arg1: i32, %arg2: memref<23xi32, #tpu.memory_space<smem>>, %arg3: memref<23xi32, #tpu.memory_space<smem>>, %arg4: memref<9xi32, #tpu.memory_space<smem>>, %arg5: memref<23xi32, #tpu.memory_space<smem>>, %arg6: memref<2048x1024xf32, #tpu.memory_space<vmem>>, %arg7: memref<1x1024x1024xf32, #tpu.memory_space<vmem>>, %arg8: memref<1x1024x1024xf32, #tpu.memory_space<vmem>>, %arg9: memref<1x1024x1024xf32, #tpu.memory_space<vmem>>, %arg10: memref<2048x1024xf32, #tpu.memory_space<vmem>>) attributes {dimension_semantics = [#tpu.dimension_semantics<arbitrary>, #tpu.dimension_semantics<arbitrary>], iteration_bounds = array<i64: 4, 23>, scalar_prefetch = 4 : i64, scratch_operands = 0 : i64, tpu.core_type = #tpu.core_type<tc>, window_params = [{pipeline_mode = #tpu.pipeline_mode<synchronous>, transform_indices = @transform_0, window_bounds = array<i64: 2048, 1024>}, {transform_indices = @transform_1, window_bounds = array<i64: 1, 1024, 1024>}, {transform_indices = @transform_2, window_bounds = array<i64: 1, 1024, 1024>}, {transform_indices = @transform_3, window_bounds = array<i64: 1, 1024, 1024>}, {pipeline_mode = #tpu.pipeline_mode<synchronous>, transform_indices = @transform_4, window_bounds = array<i64: 2048, 1024>}]} {
    %get3A = arith.index_cast %arg1 : i32 to index
    %get3A_0 = memref.load %arg3[%get3A] : memref<23xi32, #tpu.memory_space<smem>>
    %get3A_1 = arith.index_cast %arg1 : i32 to index
    %get3A_2 = memref.load %arg2[%get3A_1] : memref<23xi32, #tpu.memory_space<smem>>
    %get3A_3 = arith.index_cast %get3A_0 : i32 to index
    %get3A_4 = memref.load %arg4[%get3A_3] : memref<9xi32, #tpu.memory_space<smem>>
    %add3A = arith.constant 1 : i32
    %add3A_5 = arith.addi %get3A_0, %add3A : i32
    %get3A_6 = arith.index_cast %add3A_5 : i32 to index
    %get3A_7 = memref.load %arg4[%get3A_6] : memref<9xi32, #tpu.memory_space<smem>>
    %mul3A = arith.constant 128 : i32
    %mul3A_8 = arith.muli %get3A_2, %mul3A : i32
    %iota3A = tpu.iota {dimensions = array<i32: 0>} : vector<128x1xi32>
    %add3A_9 = vector.broadcast %mul3A_8 : i32 to vector<128x1xi32>
    %add3A_10 = arith.addi %add3A_9, %iota3A : vector<128x1xi32>
    %ge3A = vector.broadcast %get3A_4 : i32 to vector<128x1xi32>
    %ge3A_11 = arith.cmpi sge, %add3A_10, %ge3A : vector<128x1xi32>
    %lt3A = vector.broadcast %get3A_7 : i32 to vector<128x1xi32>
    %lt3A_12 = arith.cmpi slt, %add3A_10, %lt3A : vector<128x1xi32>
    %and3A = arith.andi %ge3A_11, %lt3A_12 : vector<128x1xi1>
    %get3A_13 = arith.index_cast %arg1 : i32 to index
    %get3A_14 = memref.load %arg5[%get3A_13] : memref<23xi32, #tpu.memory_space<smem>>
    %gt3A = arith.constant 0 : i32
    %gt3A_15 = arith.cmpi sgt, %get3A_14, %gt3A : i32
    %and3A_16 = vector.broadcast %gt3A_15 : i1 to vector<128x1xi1>
    %and3A_17 = arith.andi %and3A, %and3A_16 : vector<128x1xi1>
    %mul3A_18 = arith.constant 128 : i32
    %mul3A_19 = arith.muli %get3A_2, %mul3A_18 : i32
    %get3A_20 = arith.index_cast %mul3A_19 : i32 to index
    %get3A_21 = arith.constant 0 : index
    %get3A_22 = vector.load %arg6[%get3A_20, %get3A_21] : memref<2048x1024xf32, #tpu.memory_space<vmem>>, vector<128x1024xf32>
    %jit3A = arith.constant 0.000000e+00 : f32
    %broadcast_in_dim3A = vector.shape_cast %and3A_17 : vector<128x1xi1> to vector<128x1xi1>
    %broadcast_in_dim3A_23 = vector.broadcast %broadcast_in_dim3A : vector<128x1xi1> to vector<128x1024xi1>
    %broadcast_in_dim3A_24 = vector.broadcast %jit3A : f32 to vector<128x1024xf32>
    %select_n3A = arith.select %broadcast_in_dim3A_23, %get3A_22, %broadcast_in_dim3A_24 : vector<128x1024xi1>, vector<128x1024xf32>
    %get3A_25 = arith.constant 0 : index
    %get3A_26 = arith.constant 0 : index
    %get3A_27 = arith.constant 0 : index
    %get3A_28 = vector.load %arg7[%get3A_25, %get3A_26, %get3A_27] : memref<1x1024x1024xf32, #tpu.memory_space<vmem>>, vector<1x1024x1024xf32>
    %get3A_29 = vector.shape_cast %get3A_28 : vector<1x1024x1024xf32> to vector<1024x1024xf32>
    %dot_general3A = arith.constant dense<0.000000e+00> : vector<128x1024xf32>
    %dot_general3A_30 = tpu.matmul %select_n3A, %get3A_29, %dot_general3A {dimension_numbers = #tpu.dot_dimension_numbers<[1], [0], [0], [1], [0, 0, 1, 1], [], []>, transpose_lhs_hint = false} : vector<128x1024xf32>, vector<1024x1024xf32>, vector<128x1024xf32> -> vector<128x1024xf32>
    %get3A_31 = arith.constant 0 : index
    %get3A_32 = arith.constant 0 : index
    %get3A_33 = arith.constant 0 : index
    %get3A_34 = vector.load %arg8[%get3A_31, %get3A_32, %get3A_33] : memref<1x1024x1024xf32, #tpu.memory_space<vmem>>, vector<1x1024x1024xf32>
    %get3A_35 = vector.shape_cast %get3A_34 : vector<1x1024x1024xf32> to vector<1024x1024xf32>
    %dot_general3A_36 = arith.constant dense<0.000000e+00> : vector<128x1024xf32>
    %dot_general3A_37 = tpu.matmul %select_n3A, %get3A_35, %dot_general3A_36 {dimension_numbers = #tpu.dot_dimension_numbers<[1], [0], [0], [1], [0, 0, 1, 1], [], []>, transpose_lhs_hint = false} : vector<128x1024xf32>, vector<1024x1024xf32>, vector<128x1024xf32> -> vector<128x1024xf32>
    %logistic3A = arith.negf %dot_general3A_30 : vector<128x1024xf32>
    %logistic3A_38 = math.exp %logistic3A : vector<128x1024xf32>
    %logistic3A_39 = arith.constant 1.000000e+00 : f32
    %logistic3A_40 = vector.broadcast %logistic3A_39 : f32 to vector<128x1024xf32>
    %logistic3A_41 = arith.addf %logistic3A_40, %logistic3A_38 : vector<128x1024xf32>
    %logistic3A_42 = arith.divf %logistic3A_40, %logistic3A_41 : vector<128x1024xf32>
    %mul3A_43 = arith.mulf %dot_general3A_30, %logistic3A_42 : vector<128x1024xf32>
    %mul3A_44 = arith.mulf %mul3A_43, %dot_general3A_37 : vector<128x1024xf32>
    %get3A_45 = arith.constant 0 : index
    %get3A_46 = arith.constant 0 : index
    %get3A_47 = arith.constant 0 : index
    %get3A_48 = vector.load %arg9[%get3A_45, %get3A_46, %get3A_47] : memref<1x1024x1024xf32, #tpu.memory_space<vmem>>, vector<1x1024x1024xf32>
    %get3A_49 = vector.shape_cast %get3A_48 : vector<1x1024x1024xf32> to vector<1024x1024xf32>
    %dot_general3A_50 = arith.constant dense<0.000000e+00> : vector<128x1024xf32>
    %dot_general3A_51 = tpu.matmul %mul3A_44, %get3A_49, %dot_general3A_50 {dimension_numbers = #tpu.dot_dimension_numbers<[1], [0], [0], [1], [0, 0, 1, 1], [], []>, transpose_lhs_hint = false} : vector<128x1024xf32>, vector<1024x1024xf32>, vector<128x1024xf32> -> vector<128x1024xf32>
    %sub3A = arith.constant 1 : i32
    %sub3A_52 = arith.subi %arg1, %sub3A : i32
    %max3A = arith.constant 0 : i32
    %max3A_53 = arith.maxsi %sub3A_52, %max3A : i32
    %eq3A = arith.constant 0 : i32
    %eq3A_54 = arith.cmpi eq, %arg0, %eq3A : i32
    %eq3A_55 = arith.constant 0 : i32
    %eq3A_56 = arith.cmpi eq, %arg1, %eq3A_55 : i32
    %get3A_57 = arith.index_cast %max3A_53 : i32 to index
    %get3A_58 = memref.load %arg2[%get3A_57] : memref<23xi32, #tpu.memory_space<smem>>
    %ne3A = arith.cmpi ne, %get3A_2, %get3A_58 : i32
    %or3A = arith.ori %eq3A_56, %ne3A : i1
    %and3A_59 = arith.andi %eq3A_54, %or3A : i1
    %convert_element_type3A = arith.extui %and3A_59 : i1 to i32
    %cond3A = arith.constant 0 : i32
    %cond3A_60 = arith.cmpi ne, %convert_element_type3A, %cond3A : i32
    scf.if %cond3A_60 {
      %mul3A_65 = arith.constant 128 : i32
      %mul3A_66 = arith.muli %get3A_2, %mul3A_65 : i32
      %swap3A = arith.index_cast %mul3A_66 : i32 to index
      %swap3A_67 = arith.constant 0 : index
      %swap3A_68 = vector.load %arg10[%swap3A, %swap3A_67] : memref<2048x1024xf32, #tpu.memory_space<vmem>>, vector<128x1024xf32>
      tpu.vector_store %arg10[%swap3A, %swap3A_67], %dot_general3A_51 {strides = array<i32>} : memref<2048x1024xf32, #tpu.memory_space<vmem>>, vector<128x1024xf32>,
    } else {
    }
    %not3A = arith.constant true
    %not3A_61 = arith.xori %and3A_59, %not3A : i1
    %convert_element_type3A_62 = arith.extui %not3A_61 : i1 to i32
    %cond3A_63 = arith.constant 0 : i32
    %cond3A_64 = arith.cmpi ne, %convert_element_type3A_62, %cond3A_63 : i32
    scf.if %cond3A_64 {
      %mul3A_65 = arith.constant 128 : i32
      %mul3A_66 = arith.muli %get3A_2, %mul3A_65 : i32
      %get3A_67 = arith.index_cast %mul3A_66 : i32 to index
      %get3A_68 = arith.constant 0 : index
      %get3A_69 = vector.load %arg10[%get3A_67, %get3A_68] : memref<2048x1024xf32, #tpu.memory_space<vmem>>, vector<128x1024xf32>
      %add3A_70 = arith.addf %get3A_69, %dot_general3A_51 : vector<128x1024xf32>
      %swap3A = arith.index_cast %mul3A_66 : i32 to index
      %swap3A_71 = arith.constant 0 : index
      %swap3A_72 = vector.load %arg10[%swap3A, %swap3A_71] : memref<2048x1024xf32, #tpu.memory_space<vmem>>, vector<128x1024xf32>
      tpu.vector_store %arg10[%swap3A, %swap3A_71], %add3A_70 {strides = array<i32>} : memref<2048x1024xf32, #tpu.memory_space<vmem>>, vector<128x1024xf32>,
    } else {
    }
    return
  }
  func.func @transform_0(%arg0: i32, %arg1: i32, %arg2: memref<23xi32, #tpu.memory_space<smem>>, %arg3: memref<23xi32, #tpu.memory_space<smem>>, %arg4: memref<9xi32, #tpu.memory_space<smem>>, %arg5: memref<23xi32, #tpu.memory_space<smem>>) -> (i32, i32) {
    %c0_i32 = arith.constant 0 : i32
    %c0_i32_0 = arith.constant 0 : i32
    %c0_i32_1 = arith.constant 0 : i32
    return %c0_i32, %c0_i32_0 : i32, i32
  }
  func.func @transform_1(%arg0: i32, %arg1: i32, %arg2: memref<23xi32, #tpu.memory_space<smem>>, %arg3: memref<23xi32, #tpu.memory_space<smem>>, %arg4: memref<9xi32, #tpu.memory_space<smem>>, %arg5: memref<23xi32, #tpu.memory_space<smem>>) -> (i32, i32, i32) {
    %get3A = arith.index_cast %arg1 : i32 to index
    %get3A_0 = memref.load %arg3[%get3A] : memref<23xi32, #tpu.memory_space<smem>>
    %c0_i32 = arith.constant 0 : i32
    %c0_i32_1 = arith.constant 0 : i32
    return %get3A_0, %c0_i32, %arg0 : i32, i32, i32
  }
  func.func @transform_2(%arg0: i32, %arg1: i32, %arg2: memref<23xi32, #tpu.memory_space<smem>>, %arg3: memref<23xi32, #tpu.memory_space<smem>>, %arg4: memref<9xi32, #tpu.memory_space<smem>>, %arg5: memref<23xi32, #tpu.memory_space<smem>>) -> (i32, i32, i32) {
    %get3A = arith.index_cast %arg1 : i32 to index
    %get3A_0 = memref.load %arg3[%get3A] : memref<23xi32, #tpu.memory_space<smem>>
    %c0_i32 = arith.constant 0 : i32
    %c0_i32_1 = arith.constant 0 : i32
    return %get3A_0, %c0_i32, %arg0 : i32, i32, i32
  }
  func.func @transform_3(%arg0: i32, %arg1: i32, %arg2: memref<23xi32, #tpu.memory_space<smem>>, %arg3: memref<23xi32, #tpu.memory_space<smem>>, %arg4: memref<9xi32, #tpu.memory_space<smem>>, %arg5: memref<23xi32, #tpu.memory_space<smem>>) -> (i32, i32, i32) {
    %get3A = arith.index_cast %arg1 : i32 to index
    %get3A_0 = memref.load %arg3[%get3A] : memref<23xi32, #tpu.memory_space<smem>>
    %c0_i32 = arith.constant 0 : i32
    %c0_i32_1 = arith.constant 0 : i32
    return %get3A_0, %arg0, %c0_i32 : i32, i32, i32
  }
  func.func @transform_4(%arg0: i32, %arg1: i32, %arg2: memref<23xi32, #tpu.memory_space<smem>>, %arg3: memref<23xi32, #tpu.memory_space<smem>>, %arg4: memref<9xi32, #tpu.memory_space<smem>>, %arg5: memref<23xi32, #tpu.memory_space<smem>>) -> (i32, i32) {
    %c0_i32 = arith.constant 0 : i32
    %c0_i32_0 = arith.constant 0 : i32
    %c0_i32_1 = arith.constant 0 : i32
    return %c0_i32, %c0_i32_0 : i32, i32
  }
}

</mosaic_0001>

<sc_bundles>
// kernel: kernel.6.cloned.1.call-start
scs
__scs_entry_jumppad:
0x0: {  	(pc) =	sbr.rel $0x88, $3  }
0x1: {  	(tag) =	ssettag $0x0;
	lr =	simm.s32 $0x1  }
0x2: {  	[smem:$0x3F9C] =	sst lr;
	_ =	strace $0xD0000000  }
0x3: {  	_ = 	snop  }
0x4: {  	_ = 	snop  }
0x5: {  	_ = 	snop  }
0x6: {  	_ = 	snop  }
0x7: {  	_ = 	snop  }
__scs_overlays_trampoline_lowered:
0x8: {  	[smem:$0x3FAB] =	sst s0  }
0x9: {  	[smem:$0x3FAC] =	sst s1  }
0xa: {  	[smem:$0x3FAD] =	sst s2  }
0xb: {  	[smem:$0x3FAE] =	sst s3  }
0xc: {  	[smem:$0x3FAF] =	sst s4  }
0xd: {  	[smem:$0x3FB0] =	sst s5  }
0xe: {  	[smem:$0x3FB1] =	sst s6  }
0xf: {  	[smem:$0x3FB2] =	sst s7  }
0x10: {  	[smem:$0x3FB3] =	sst s8  }
0x11: {  	[smem:$0x3FB4] =	sst s9;
	s0 =	simm.s32 @!p0 $0x0  }
0x12: {  	s1 =	sld [smem:$0x3F9A];
	s0 =	simm.s32 @p0 $0x1  }
0x13: {  	[smem:$0x3FB5] =	sst s0;
	s0 =	simm.s32 @!p1 $0x0  }
0x14: {  	s2 =	sld [smem:$0x3F99];
	s0 =	simm.s32 @p1 $0x1  }
0x15: {  	[smem:$0x3FB6] =	sst s0;
	s0 =	simm.s32 @!p2 $0x0  }
0x16: {  	s3 =	sld [smem:$0x3FDB];
	s0 =	simm.s32 @p2 $0x1  }
0x17: {  	s4 =	simm.s32 $0x1BF5;
	[smem:$0x3FB8] =	sst s0  }
0x18: {  	s0 =	sld [smem:$0x3F9B];
	_ =	swait.ge [sflag:s4], $0x0  }
0x19: {  	s7 =	sld [smem:$0x3F9C]  }
0x1a: {  	s8 =	sadd.s32 $0xFFFFE003, lr  }
0x1b: {  	s9 =	sadd.s32 $0xFFFFFEF7, lr;
	s5 =	simm.s32 $0xFFFFFFFF;
	p2 =	slt.u32 s8, $0xFFFFF086  }
0x1c: {  	p1 =	slt.u32 s9, $0xF7A;
	s5 =	simm.s32 @!p2 $0x0  }
0x1d: {  	s5 =	simm.s32 @p1 $0x1;
	p0 =	seq.s32 s7, s2  }
0x1e: {  	s7 =	smul.u32 @!p0 $0xF7A, s2;
	p2 =	seq.s32 @!p0 s5, $0x0  }
0x1f: {  	s9 =	smul.u32 $0xF7A, s1;
	s8 =	simm.s32 @!p0 $0x1BF5;
	p2 =	por !p2, p0  }
0x20: {  	[sflag:s8] =	ssyncset.s32 @!p0 $0xFFFFF086;
	s6 =	sadd.s32 @!p0 s3, s7;
	s7 =	simm.s32 @!p0 $0x108  }
0x21: {  	s3 =	sadd.s32 s3, s9;
	s6 =	sadd.s32 @!p0 $0x88, s6;
	s7 =	simm.s32 @p2 $0x1082  }
0x22: {  	[simem:s7], [sflag:s8] =	dma.local @!p0 [hbm:s6], $0xF7A  }
0x23: {  	s9 =	sor.u32 $0xD0000000, s2;
	s6 =	simm.s32 $0x108;
	_ =	swait.ge @!p0 [sflag:s8], $0x0  }
0x24: {  	s3 =	sadd.s32 $0x88, s3;
	s6 =	simm.s32 @!p1 $0x1082;
	[sflag:s4] =	ssyncset.s32 $0xFFFFF086  }
0x25: {  	[simem:s6], [sflag:s4] =	dma.local [hbm:s3], $0xF7A  }
0x26: {  	[smem:$0x3F9C] =	sst s1;
	(tag) =	ssettag s2;
	_ =	strace s9  }
0x27: {  	s1 =	sld [smem:$0x3FAC]  }
0x28: {  	s2 =	sld [smem:$0x3FAD]  }
0x29: {  	s4 =	sld [smem:$0x3FAF]  }
0x2a: {  	p0 =	seq.s32 s5, $0x0;
	s5 =	sld [smem:$0x3FB0]  }
0x2b: {  	s6 =	sld [smem:$0x3FB1]  }
0x2c: {  	s7 =	sld [smem:$0x3FB2]  }
0x2d: {  	s3 =	simm.s32 $0x108;
	s8 =	sld [smem:$0x3FB3]  }
0x2e: {  	s3 =	simm.s32 @!p0 $0x1082;
	s9 =	sld [smem:$0x3FB4]  }
0x2f: {  	lr =	sadd.s32 s0, s3;
	s0 =	sld [smem:$0x3FAB]  }
0x30: {  	s3 =	sld [smem:$0x3FAE]  }
0x31: {  	[smem:$0x3FB7] =	sst s10  }
0x32: {  	s10 =	sld [smem:$0x3FB5];
	_ =	sdelay $0x3  }
0x33: {  	p0 =	seq.s32 s10, $0x1;
	s10 =	sld [smem:$0x3FB7];
	_ =	sdelay $0x3  }
0x34: {  	[smem:$0x3FB7] =	sst s10  }
0x35: {  	s10 =	sld [smem:$0x3FB6];
	_ =	sdelay $0x3  }
0x36: {  	p1 =	seq.s32 s10, $0x1;
	s10 =	sld [smem:$0x3FB7];
	_ =	sdelay $0x3  }
0x37: {  	[smem:$0x3FB7] =	sst s10  }
0x38: {  	s10 =	sld [smem:$0x3FB8]  }
0x39: {  	_ = 	snop;
	(pc) =	sbr.ind lr, $3  }
0x3a: {  	_ = 	snop  }
0x3b: {  	_ = 	snop  }
0x3c: {  	p2 =	seq.s32 s10, $0x1;
	s10 =	sld [smem:$0x3FB7]  }
0x3d: {  	_ =	shalt  }
0x3e: {  	_ =	shalt  }
0x3f: {  	_ =	shalt  }
0x40: {  	_ =	shalt  }
0x41: {  	_ =	shalt  }
0x42: {  	_ =	shalt  }
0x43: {  	_ =	shalt  }
0x44: {  	_ =	shalt  }
0x45: {  	_ =	shalt  }
0x46: {  	_ =	shalt  }
0x47: {  	_ =	shalt  }
0x48: {  	_ =	shalt  }
0x49: {  	_ =	shalt  }
0x4a: {  	_ =	shalt  }
0x4b: {  	_ =	shalt  }
0x4c: {  	_ =	shalt  }
0x4d: {  	_ =	shalt  }
0x4e: {  	_ =	shalt  }
0x4f: {  	_ =	shalt  }
0x50: {  	_ =	shalt  }
0x51: {  	_ =	shalt  }
0x52: {  	_ =	shalt  }
0x53: {  	_ =	shalt  }
0x54: {  	_ =	shalt  }
0x55: {  	_ =	shalt  }
0x56: {  	_ =	shalt  }
0x57: {  	_ =	shalt  }
0x58: {  	_ =	shalt  }
0x59: {  	_ =	shalt  }
0x5a: {  	_ =	shalt  }
0x5b: {  	_ =	shalt  }
0x5c: {  	_ =	shalt  }
0x5d: {  	_ =	shalt  }
0x5e: {  	_ =	shalt  }
0x5f: {  	_ =	shalt  }
0x60: {  	_ =	shalt  }
0x61: {  	_ =	shalt  }
0x62: {  	_ =	shalt  }
0x63: {  	_ =	shalt  }
0x64: {  	_ =	shalt  }
0x65: {  	_ =	shalt  }
0x66: {  	_ =	shalt  }
0x67: {  	_ =	shalt  }
0x68: {  	_ =	shalt  }
0x69: {  	_ =	shalt  }
0x6a: {  	_ =	shalt  }
0x6b: {  	_ =	shalt  }
0x6c: {  	_ =	shalt  }
0x6d: {  	_ =	shalt  }
0x6e: {  	_ =	shalt  }
0x6f: {  	_ =	shalt  }
0x70: {  	_ =	shalt  }
0x71: {  	_ =	shalt  }
0x72: {  	_ =	shalt  }
0x73: {  	_ =	shalt  }
0x74: {  	_ =	shalt  }
0x75: {  	_ =	shalt  }
0x76: {  	_ =	shalt  }
0x77: {  	_ =	shalt  }
0x78: {  	_ =	shalt  }
0x79: {  	_ =	shalt  }
0x7a: {  	_ =	shalt  }
0x7b: {  	_ =	shalt  }
0x7c: {  	_ =	shalt  }
0x7d: {  	_ =	shalt  }
0x7e: {  	_ =	shalt  }
0x7f: {  	_ =	shalt  }
0x80: {  	_ =	shalt  }
0x81: {  	_ =	shalt  }
0x82: {  	_ =	shalt  }
0x83: {  	_ =	shalt  }
0x84: {  	_ =	shalt  }
0x85: {  	_ =	shalt  }
0x86: {  	_ =	shalt  }
0x87: {  	_ =	shalt  }
.Lfunc_end0:
.L_simem_size_0:
called_computation_lowered:
.L_overlay_start_0:
0x88: {  	s2 =	sld [smem:$0x3FD9]  }
0x89: {  	s3 =	sld [smem:$0x3FFE];
	_ =	sdelay $0x1  }
0x8a: {  	s1 =	srdreg.scid  }
0x8b: {  	s0 =	sand.u32 $0x1, s1  }
0x8c: {  	s17 =	sshll.u32 s0, $0xA;
	s2 =	sadd.s32 s3, s2  }
0x8d: {  	s2 =	sadd.s32 s2, s17  }
0x8e: {  	[smem:$0x3FC3] =	sst s2  }
0x8f: {  	_ = 	snop  }
0x90: {  	s2 =	sld [smem:$0x3FD0];
	(tm) =	ssettm $0x1  }
0x91: {  	s18 =	sld [smem:$0x3FFB];
	_ =	sdelay $0x3  }
0x92: {  	_ =	strace s18  }
0x93: {  	s3 =	sld [smem:$0x3FFC];
	_ =	sdelay $0x3  }
0x94: {  	_ =	strace s3  }
0x95: {  	s3 =	sld [smem:$0x3FFD];
	_ =	sdelay $0x3  }
0x96: {  	_ =	strace s3  }
0x97: {  	_ =	strace $0x8FFFFFFF  }
0x98: {  	s19 =	sld [smem:$0x3FDB];
	_ =	sdelay $0x1  }
0x99: {  	s4 =	simm.s32 $_scs_section_size  }
0x9a: {  	s5 =	simm.s32 $_size__tile_overlayer_lowered;
	s6 =	simm.s32 $_tile_overlayer_lowered  }
0x9b: {  	s22 =	simm.s32 $0x1BFF;
	s21 =	sshll.u32 s6, $0x1;
	s3 =	sadd.s32 s4, s19  }
0x9c: {  	s7 =	simm.s32 $0x0;
	s20 =	sshll.u32 s5, $0x1;
	s5 =	sadd.s32 s21, s3  }
0x9d: {  	[timem:s7], [sflag:s22] =	dma.local [hbm:s5], s20  }
0x9e: {  	_ =	swait.ge [sflag:s22], s20  }
0x9f: {  	s4 =	ssub.s32 $0x0, s20;
	[sflag:s22] =	ssyncset.done $0x0  }
0xa0: {  	[sflag:s22] =	ssyncadd.s32 s4;
	_ =	sdelay $0x1  }
0xa1: {  	s23 =	simm.s32 $0x1B8B  }
0xa2: {  	_ =	swait.ge [sflag:s23], $0x1  }
0xa3: {  	[sflag:s23] =	ssyncset.done $0x0  }
0xa4: {  	s25 =	simm.s32 $0x1B8E;
	s24 =	sld [smem:$0x3FFE];
	[sflag:s23] =	ssyncadd.s32 $0xFFFFFFFF  }
0xa5: {  	s26 =	simm.s32 $execute0_lowered;
	[smem:$0x3FD2] =	sst s25  }
0xa6: {  	s5 =	sshll.u32 s26, $0x1;
	_ =	strace $0x80000046;
	[dreg:$0x1] =	wrdreg $0xFFFFFFFF  }
0xa7: {  	s28 =	simm.s32 $_size_execute0_lowered;
	s3 =	sadd.s32 s3, s5;
	[dreg:$0x0] =	wrdreg $0x0  }
0xa8: {  	s5 =	sshll.u32 s28, $0x1;
	[dreg:$0x2] =	wrdreg s3  }
0xa9: {  	[dreg:$0x3] =	wrdreg s5  }
0xaa: {  	[dreg:$0x4] =	wrdreg $0xC0  }
0xab: {  	_ =	task [dreg:s7], $0x5FFFF  }
0xac: {  	[dreg:$0x1] =	wrdreg $0xFFFFFFFF  }
0xad: {  	[dreg:$0x0] =	wrdreg $0x60  }
0xae: {  	[dreg:$0x2] =	wrdreg s2  }
0xaf: {  	[dreg:$0x3] =	wrdreg s24  }
0xb0: {  	[dreg:$0x4] =	wrdreg $0x9  }
0xb1: {  	_ =	task.clear_ibuf [dreg:s7], $0x5FFFF;
	_ =	strace $0x90000046  }
0xb2: {  	s29 =	simm.s32 $0x9;
	_ =	strace $0x80000048  }
0xb3: {  	_ =	swait.ge [sflag:s29], $0x1  }
0xb4: {  	[sflag:s29] =	ssyncadd.s32 $0xFFFFFFFF  }
0xb5: {  	_ =	strace $0x90000048  }
0xb6: {  	_ =	sfence  }
0xb7: {  	s30 =	sld [smem:$0x0];
	_ =	sdelay $0x2  }
0xb8: {  	s31 =	sshll.u32 s1, $0xD;
	s1 =	sshrl.u32 s1, $0x2  }
0xb9: {  	s3 =	sand.u32 $0x4000, s31;
	s1 =	sadd.s32 s1, s30  }
0xba: {  	s0 =	sor.u32 s3, s0;
	s1 =	sshll.u32 s1, $0x11  }
0xbb: {  	s0 =	sor.u32 s1, s0  }
0xbc: {  	s0 =	sadd.s32 $0x8F2B, s0  }
0xbd: {  	[sflag:s0] =	ssyncadd.remote.s32 $0x1  }
0xbe: {  	_ =	sfence.sel $0xFFFF  }
0xbf: {  	[dreg:$0x0] =	wrdreg $0xFFFFFFFF;
	(pc) =	sbr.abs _section_cstart, $3  }
0xc0: {  	[dreg:$0x1] =	wrdreg $0xFFFFFFFF  }
0xc1: {  	_ =	task.clear_ibuf [dreg:s7], $0x2FFFF;
	_ =	strace $0x9FFFFFFF  }
0xc2: {  	(tm) =	ssettm $0x7FFFFFFF  }
0xc3: {  	_ =	shalt  }
tec
execute0_lowered:
.L_overlay_start_1:
0x0: {  	(tag) =	ssettag $0x1  }
0x1: {  	s1 =	srdreg.scid  }
0x2: {  	s0 =	stileid.u32;
	s3 =	rddreg [dreg:$0x0]  }
0x3: {  	s6 =	rddreg [dreg:$0x1];
	s18 =	simm.s32 $0x880;
	s19 =	simm.s32 $0x1080  }
0x4: {  	s20 =	simm.s32 $0x1880;
	s22 =	simm.s32 $0x2080;
	s23 =	simm.s32 $0x2880  }
0x5: {  	s7 =	simm.s32 $0x3080;
	s24 =	simm.s32 $0x3880;
	s8 =	simm.s32 $0x4080  }
0x6: {  	s25 =	simm.s32 $0x4880;
	s26 =	simm.s32 $0x5080;
	s1 =	sand.u32 $0x1, s1  }
0x7: {  	s9 =	simm.s32 $0x80;
	s2 =	sshll.u32 s0, $0x7;
	s4 =	sshll.u32 s1, $0x6  }
0x8: {  	s11 =	simm.s32 $0x6080;
	s4 =	sor.u32 s4, s2;
	s2 =	simm.s32 $0x0  }
0x9: {  	s12 =	simm.s32 $0x6880;
	s13 =	simm.s32 $0x7080;
	[smem:$0x7FF] =	sst s2  }
0xa: {  	s14 =	simm.s32 $0x7880;
	_ =	strace $0x80000047;
	[dreg:$0x5] =	wrdreg s18  }
0xb: {  	s15 =	simm.s32 $0x8080;
	s16 =	simm.s32 $0x8880;
	[dreg:$0x6] =	wrdreg s19  }
0xc: {  	s17 =	simm.s32 $0x9080;
	s28 =	simm.s32 $0xE080;
	[dreg:$0x7] =	wrdreg s20  }
0xd: {  	s29 =	simm.s32 $0xE880;
	s30 =	simm.s32 $0xF080;
	[dreg:$0x8] =	wrdreg s22  }
0xe: {  	s31 =	simm.s32 $0xF880;
	s1 =	ssub.s32 $0x2, s1;
	[dreg:$0x9] =	wrdreg s23  }
0xf: {  	s21 =	sshrl.u32 s1, $0x1;
	s5 =	sshrl.u32 s4, $0x3;
	[dreg:$0xa] =	wrdreg s7  }
0x10: {  	s4 =	sshll.u32 s4, $0x7;
	s1 =	ssub.s32 s1, s21;
	[dreg:$0xb] =	wrdreg s24  }
0x11: {  	s21 =	simm.s32 $0xB080;
	s5 =	sadd.s32 s5, s6;
	[dreg:$0xc] =	wrdreg s8  }
0x12: {  	s3 =	sadd.s32 s3, s4;
	s4 =	sadd.s32 $0xF00, s6;
	[dreg:$0xd] =	wrdreg s25  }
0x13: {  	s7 =	smax.u32 s1, $0x1;
	s8 =	simm.s32 $0x2;
	[dreg:$0xe] =	wrdreg s26  }
0x14: {  	s18 =	simm.s32 $0x9880;
	s19 =	simm.s32 $0xA080;
	s20 =	simm.s32 $0xA880  }
0x15: {  	s22 =	simm.s32 $0xB880;
	s23 =	simm.s32 $0xC080;
	s24 =	simm.s32 $0xC880  }
0x16: {  	v2 =	vlaneseq.u32;
	s25 =	simm.s32 $0xD080;
	s26 =	simm.s32 $0xD880;
	s1 =	simm.s32 $0x1  }
0x17: {  	vm0 =	vmmov $0xffff;
	v1 =	vshrl.u32 v2, $0x3;
	s5 =	sadd.s32 $0xC00, s5;
	[dreg:$0x4] =	wrdreg s3;
	s3 =	sadd.s32 $0xE00, s6  }
0x18: {  	v0 =	vand.u32 $0x7, v2;
	v2 =	vor.u32 $0x8, v2;
	v1 =	vmul.u32 $0x8, v1;
	[dreg:$0x3] =	wrdreg s5;
	s5 =	sadd.s32 $0x1000, s6;
	s6 =	sadd.s32 $0x1100, s6  }
.LBB2_1:
0x19: {  	s0 =	rddreg [dreg:$0x3]  }
0x1a: {  	[tilespmem:s2], [sflag:$0x2] =	stream.linear.gather [hbm4b:s0+s2], $0x40, $0x38;
	[tilespmem:$0x10080] =	vst v63  }
0x1b: {  	_ =	swait.ge [sflag:s8], $0x40  }
0x1c: {  	[sflag:s8] =	ssyncset.done $0x0  }
0x1d: {  	s10 =	rddreg [dreg:$0x4];
	[sflag:s8] =	ssyncadd.s32 $0xFFFFFFC0  }
0x1e: {  	[tilespmem:s9], [sflag:$0x2] =	stream.linear.gather [hbm4b:s10+s2], $0x10000, $0x38;
	[tilespmem:$0x10080] =	vst v63  }
0x1f: {  	_ =	swait.ge [sflag:s8], $0x10000  }
0x20: {  	[sflag:s8] =	ssyncset.done $0x0  }
0x21: {  	[sflag:s8] =	ssyncadd.s32 $0xFFFF0000  }
0x22: {  	v3 =	vld [tilespmem:$0x0];
	_ =	sdelay $0x4  }
0x23: {  	v4 =	vshll.u32 v3, $0x3  }
0x24: {  	v3 =	vand.u32 $0x7, v3;
	v4 =	vand.u32 $0xFFFFFFC0, v4  }
0x25: {  	v3 =	vor.u32 v3, v4  }
0x26: {  	v4 =	vperm.xlane v3, v0;
	_ =	sdelay $0x1  }
0x27: {  	v4 =	vadd.s32 v1, v4;
	_ =	sdelay $0x4  }
0x28: {  	[hbm4b:s3+s2] =	stream.indirect_vreg.scatter [tilespmem:s9], [sflag:$0x1], $0x80, v4, vm0, $0xb8;
	[tilespmem:$0x10080] =	vst v63  }
0x29: {  	s0 =	rddreg [dreg:$0x5];
	v3 =	vperm.xlane v3, v2  }
0x2a: {  	[hbm4b:s4+s2] =	stream.indirect_vreg.scatter [tilespmem:s0], [sflag:$0x1], $0x80, v4, vm0, $0xb8;
	[tilespmem:$0x10080] =	vst v63  }
0x2b: {  	s10 =	rddreg [dreg:$0x6];
	v3 =	vadd.s32 v1, v3  }
0x2c: {  	[hbm4b:s5+s2] =	stream.indirect_vreg.scatter [tilespmem:s10], [sflag:$0x1], $0x80, v4, vm0, $0xb8;
	[tilespmem:$0x10080] =	vst v63  }
0x2d: {  	s0 =	rddreg [dreg:$0x7]  }
0x2e: {  	[hbm4b:s6+s2] =	stream.indirect_vreg.scatter [tilespmem:s0], [sflag:$0x1], $0x80, v4, vm0, $0xb8;
	[tilespmem:$0x10080] =	vst v63  }
0x2f: {  	s10 =	rddreg [dreg:$0x8]  }
0x30: {  	[hbm4b:s3+s2] =	stream.indirect_vreg.scatter [tilespmem:s10], [sflag:$0x1], $0x80, v3, vm0, $0xb8;
	[tilespmem:$0x10080] =	vst v63  }
0x31: {  	s0 =	rddreg [dreg:$0x9]  }
0x32: {  	[hbm4b:s4+s2] =	stream.indirect_vreg.scatter [tilespmem:s0], [sflag:$0x1], $0x80, v3, vm0, $0xb8;
	[tilespmem:$0x10080] =	vst v63  }
0x33: {  	s10 =	rddreg [dreg:$0xa]  }
0x34: {  	[hbm4b:s5+s2] =	stream.indirect_vreg.scatter [tilespmem:s10], [sflag:$0x1], $0x80, v3, vm0, $0xb8;
	[tilespmem:$0x10080] =	vst v63  }
0x35: {  	s0 =	rddreg [dreg:$0xb]  }
0x36: {  	[hbm4b:s6+s2] =	stream.indirect_vreg.scatter [tilespmem:s0], [sflag:$0x1], $0x80, v3, vm0, $0xb8;
	[tilespmem:$0x10080] =	vst v63  }
0x37: {  	v3 =	vld [tilespmem:$0x10];
	_ =	sdelay $0x4  }
0x38: {  	v61 =	vshll.u32 v3, $0x3  }
0x39: {  	v3 =	vand.u32 $0x7, v3;
	v4 =	vand.u32 $0xFFFFFFC0, v61  }
0x3a: {  	v3 =	vor.u32 v3, v4  }
0x3b: {  	v4 =	vperm.xlane v3, v0;
	_ =	sdelay $0x1  }
0x3c: {  	v4 =	vadd.s32 v1, v4;
	_ =	sdelay $0x3  }
0x3d: {  	s0 =	rddreg [dreg:$0xc]  }
0x3e: {  	[hbm4b:s3+s2] =	stream.indirect_vreg.scatter [tilespmem:s0], [sflag:$0x1], $0x80, v4, vm0, $0xb8;
	[tilespmem:$0x10080] =	vst v63  }
0x3f: {  	s10 =	rddreg [dreg:$0xd];
	v3 =	vperm.xlane v3, v2  }
0x40: {  	[hbm4b:s4+s2] =	stream.indirect_vreg.scatter [tilespmem:s10], [sflag:$0x1], $0x80, v4, vm0, $0xb8;
	[tilespmem:$0x10080] =	vst v63  }
0x41: {  	v3 =	vadd.s32 v1, v3;
	s0 =	rddreg [dreg:$0xe]  }
0x42: {  	[hbm4b:s5+s2] =	stream.indirect_vreg.scatter [tilespmem:s0], [sflag:$0x1], $0x80, v4, vm0, $0xb8;
	[tilespmem:$0x10080] =	vst v63  }
0x43: {  	s10 =	simm.s32 $0x5880  }
0x44: {  	[hbm4b:s6+s2] =	stream.indirect_vreg.scatter [tilespmem:s10], [sflag:$0x1], $0x80, v4, vm0, $0xb8;
	[tilespmem:$0x10080] =	vst v63  }
0x45: {  	_ = 	snop  }
0x46: {  	[hbm4b:s3+s2] =	stream.indirect_vreg.scatter [tilespmem:s11], [sflag:$0x1], $0x80, v3, vm0, $0xb8;
	[tilespmem:$0x10080] =	vst v63  }
0x47: {  	_ = 	snop  }
0x48: {  	[hbm4b:s4+s2] =	stream.indirect_vreg.scatter [tilespmem:s12], [sflag:$0x1], $0x80, v3, vm0, $0xb8;
	[tilespmem:$0x10080] =	vst v63  }
0x49: {  	_ = 	snop  }
0x4a: {  	[hbm4b:s5+s2] =	stream.indirect_vreg.scatter [tilespmem:s13], [sflag:$0x1], $0x80, v3, vm0, $0xb8;
	[tilespmem:$0x10080] =	vst v63  }
0x4b: {  	_ = 	snop  }
0x4c: {  	[hbm4b:s6+s2] =	stream.indirect_vreg.scatter [tilespmem:s14], [sflag:$0x1], $0x80, v3, vm0, $0xb8;
	[tilespmem:$0x10080] =	vst v63  }
0x4d: {  	v3 =	vld [tilespmem:$0x20];
	_ =	sdelay $0x4  }
0x4e: {  	v62 =	vshll.u32 v3, $0x3  }
0x4f: {  	v3 =	vand.u32 $0x7, v3;
	v4 =	vand.u32 $0xFFFFFFC0, v62  }
0x50: {  	v3 =	vor.u32 v3, v4  }
0x51: {  	v4 =	vperm.xlane v3, v0;
	_ =	sdelay $0x1  }
0x52: {  	v4 =	vadd.s32 v1, v4;
	_ =	sdelay $0x4  }
0x53: {  	[hbm4b:s3+s2] =	stream.indirect_vreg.scatter [tilespmem:s15], [sflag:$0x1], $0x80, v4, vm0, $0xb8;
	[tilespmem:$0x10080] =	vst v63  }
0x54: {  	v3 =	vperm.xlane v3, v2  }
0x55: {  	[hbm4b:s4+s2] =	stream.indirect_vreg.scatter [tilespmem:s16], [sflag:$0x1], $0x80, v4, vm0, $0xb8;
	[tilespmem:$0x10080] =	vst v63  }
0x56: {  	v3 =	vadd.s32 v1, v3  }
0x57: {  	[hbm4b:s5+s2] =	stream.indirect_vreg.scatter [tilespmem:s17], [sflag:$0x1], $0x80, v4, vm0, $0xb8;
	[tilespmem:$0x10080] =	vst v63  }
0x58: {  	_ = 	snop  }
0x59: {  	[hbm4b:s6+s2] =	stream.indirect_vreg.scatter [tilespmem:s18], [sflag:$0x1], $0x80, v4, vm0, $0xb8;
	[tilespmem:$0x10080] =	vst v63  }
0x5a: {  	_ = 	snop  }
0x5b: {  	[hbm4b:s3+s2] =	stream.indirect_vreg.scatter [tilespmem:s19], [sflag:$0x1], $0x80, v3, vm0, $0xb8;
	[tilespmem:$0x10080] =	vst v63  }
0x5c: {  	_ = 	snop  }
0x5d: {  	[hbm4b:s4+s2] =	stream.indirect_vreg.scatter [tilespmem:s20], [sflag:$0x1], $0x80, v3, vm0, $0xb8;
	[tilespmem:$0x10080] =	vst v63  }
0x5e: {  	_ = 	snop  }
0x5f: {  	[hbm4b:s5+s2] =	stream.indirect_vreg.scatter [tilespmem:s21], [sflag:$0x1], $0x80, v3, vm0, $0xb8;
	[tilespmem:$0x10080] =	vst v63  }
0x60: {  	_ = 	snop  }
0x61: {  	[hbm4b:s6+s2] =	stream.indirect_vreg.scatter [tilespmem:s22], [sflag:$0x1], $0x80, v3, vm0, $0xb8;
	[tilespmem:$0x10080] =	vst v63  }
0x62: {  	v3 =	vld [tilespmem:$0x30];
	_ =	sdelay $0x4  }
0x63: {  	v63 =	vshll.u32 v3, $0x3  }
0x64: {  	v3 =	vand.u32 $0x7, v3;
	v4 =	vand.u32 $0xFFFFFFC0, v63  }
0x65: {  	v3 =	vor.u32 v3, v4  }
0x66: {  	v4 =	vperm.xlane v3, v0;
	_ =	sdelay $0x1  }
0x67: {  	v4 =	vadd.s32 v1, v4;
	_ =	sdelay $0x4  }
0x68: {  	[hbm4b:s3+s2] =	stream.indirect_vreg.scatter [tilespmem:s23], [sflag:$0x1], $0x80, v4, vm0, $0xb8;
	[tilespmem:$0x10080] =	vst v63  }
0x69: {  	v3 =	vperm.xlane v3, v2  }
0x6a: {  	[hbm4b:s4+s2] =	stream.indirect_vreg.scatter [tilespmem:s24], [sflag:$0x1], $0x80, v4, vm0, $0xb8;
	[tilespmem:$0x10080] =	vst v63  }
0x6b: {  	v3 =	vadd.s32 v1, v3  }
0x6c: {  	[hbm4b:s5+s2] =	stream.indirect_vreg.scatter [tilespmem:s25], [sflag:$0x1], $0x80, v4, vm0, $0xb8;
	[tilespmem:$0x10080] =	vst v63  }
0x6d: {  	_ = 	snop  }
0x6e: {  	[hbm4b:s6+s2] =	stream.indirect_vreg.scatter [tilespmem:s26], [sflag:$0x1], $0x80, v4, vm0, $0xb8;
	[tilespmem:$0x10080] =	vst v63  }
0x6f: {  	_ = 	snop  }
0x70: {  	[hbm4b:s3+s2] =	stream.indirect_vreg.scatter [tilespmem:s28], [sflag:$0x1], $0x80, v3, vm0, $0xb8;
	[tilespmem:$0x10080] =	vst v63  }
0x71: {  	_ = 	snop  }
0x72: {  	[hbm4b:s4+s2] =	stream.indirect_vreg.scatter [tilespmem:s29], [sflag:$0x1], $0x80, v3, vm0, $0xb8;
	[tilespmem:$0x10080] =	vst v63  }
0x73: {  	p0 =	sne.s32 s7, $0x1  }
0x74: {  	[hbm4b:s5+s2] =	stream.indirect_vreg.scatter [tilespmem:s30], [sflag:$0x1], $0x80, v3, vm0, $0xb8;
	[tilespmem:$0x10080] =	vst v63  }
.Ltmp0:
0x75: {  	_ = 	snop;
	(pc) =	sbr.rel @p0 .LBB2_1-.Ltmp0, $4  }
0x76: {  	[hbm4b:s6+s2] =	stream.indirect_vreg.scatter [tilespmem:s31], [sflag:$0x1], $0x80, v3, vm0, $0xb8;
	[tilespmem:$0x10080] =	vst v63  }
0x77: {  	_ =	swait.ge [sflag:s1], $0x10000  }
0x78: {  	[sflag:s1] =	ssyncset.done $0x0  }
0x79: {  	s7 =	sadd.s32 $0xFFFFFFFF, s7;
	[sflag:s1] =	ssyncadd.s32 $0xFFFF0000  }
0x7a: {  	_ =	sfence.sel $0x180000  }
0x7b: {  	[bflag:$0x0] =	sbarrier.arrive $0xFFFF  }
0x7c: {  	_ =	strace $0x90000047  }
0x7d: {  	s0 =	stileid.u32;
	[bflag:$0x2] =	sbarrier.arrive $0xFFFF  }
0x7e: {  	p0 =	sne.s32 s0, $0x0;
	s0 =	rddreg [dreg:$0x2]  }
0x7f: {  	s0 =	sadd.s32 @!p0 $0x100000, s0  }
0x80: {  	[sflag:s0] =	ssyncadd.tile.s32 @!p0 $0x1;
	_ =	shalt  }
.Lfunc_end2:
_tile_overlayer_lowered:
.L_overlay_start_2:
0x81: {  	(tag) =	ssettag $0x2  }
0x82: {  	s0 =	rddreg [dreg:$0x0];
	s2 =	stileid.u32  }
0x83: {  	s1 =	rddreg [dreg:$0x1];
	p0 =	sne.s32 s2, $0x0  }
0x84: {  	s3 =	rddreg [dreg:$0x2];
	[bflag:$0x3] =	sbarrier.arrive $0xFFFF;
	s2 =	simm.s32 @!p0 $0x1C02  }
0x85: {  	[timem:s3], [sflag:s2] =	dma.local @!p0 [hbm:s0], s1  }
0x86: {  	s0 =	simm.s32 @!p0 $0x2  }
0x87: {  	_ =	swait.ge @!p0 [sflag:s0], s1  }
0x88: {  	s1 =	ssub.s32 @!p0 $0x0, s1;
	[sflag:s0] =	ssyncset.done @!p0 $0x0  }
0x89: {  	[sflag:s0] =	ssyncadd.s32 @!p0 s1  }
0x8a: {  	[bflag:$0x3] =	sbarrier.arrive $0xFFFF  }
0x8b: {  	_ =	shalt  }

// kernel: kernel.9.cloned.1.call-start
scs
__scs_entry_jumppad:
0x0: {  	(pc) =	sbr.rel $0x88, $3  }
0x1: {  	(tag) =	ssettag $0x0;
	lr =	simm.s32 $0x1  }
0x2: {  	[smem:$0x3F9C] =	sst lr;
	_ =	strace $0xD0000000  }
0x3: {  	_ = 	snop  }
0x4: {  	_ = 	snop  }
0x5: {  	_ = 	snop  }
0x6: {  	_ = 	snop  }
0x7: {  	_ = 	snop  }
__scs_overlays_trampoline_lowered:
0x8: {  	[smem:$0x3FAB] =	sst s0  }
0x9: {  	[smem:$0x3FAC] =	sst s1  }
0xa: {  	[smem:$0x3FAD] =	sst s2  }
0xb: {  	[smem:$0x3FAE] =	sst s3  }
0xc: {  	[smem:$0x3FAF] =	sst s4  }
0xd: {  	[smem:$0x3FB0] =	sst s5  }
0xe: {  	[smem:$0x3FB1] =	sst s6  }
0xf: {  	[smem:$0x3FB2] =	sst s7  }
0x10: {  	[smem:$0x3FB3] =	sst s8  }
0x11: {  	[smem:$0x3FB4] =	sst s9;
	s0 =	simm.s32 @!p0 $0x0  }
0x12: {  	s1 =	sld [smem:$0x3F9A];
	s0 =	simm.s32 @p0 $0x1  }
0x13: {  	[smem:$0x3FB5] =	sst s0;
	s0 =	simm.s32 @!p1 $0x0  }
0x14: {  	s2 =	sld [smem:$0x3F99];
	s0 =	simm.s32 @p1 $0x1  }
0x15: {  	[smem:$0x3FB6] =	sst s0;
	s0 =	simm.s32 @!p2 $0x0  }
0x16: {  	s3 =	sld [smem:$0x3FDB];
	s0 =	simm.s32 @p2 $0x1  }
0x17: {  	s4 =	simm.s32 $0x1BF5;
	[smem:$0x3FB8] =	sst s0  }
0x18: {  	s0 =	sld [smem:$0x3F9B];
	_ =	swait.ge [sflag:s4], $0x0  }
0x19: {  	s7 =	sld [smem:$0x3F9C]  }
0x1a: {  	s8 =	sadd.s32 $0xFFFFE003, lr  }
0x1b: {  	s9 =	sadd.s32 $0xFFFFFEF7, lr;
	s5 =	simm.s32 $0xFFFFFFFF;
	p2 =	slt.u32 s8, $0xFFFFF086  }
0x1c: {  	p1 =	slt.u32 s9, $0xF7A;
	s5 =	simm.s32 @!p2 $0x0  }
0x1d: {  	s5 =	simm.s32 @p1 $0x1;
	p0 =	seq.s32 s7, s2  }
0x1e: {  	s7 =	smul.u32 @!p0 $0xF7A, s2;
	p2 =	seq.s32 @!p0 s5, $0x0  }
0x1f: {  	s9 =	smul.u32 $0xF7A, s1;
	s8 =	simm.s32 @!p0 $0x1BF5;
	p2 =	por !p2, p0  }
0x20: {  	[sflag:s8] =	ssyncset.s32 @!p0 $0xFFFFF086;
	s6 =	sadd.s32 @!p0 s3, s7;
	s7 =	simm.s32 @!p0 $0x108  }
0x21: {  	s3 =	sadd.s32 s3, s9;
	s6 =	sadd.s32 @!p0 $0x88, s6;
	s7 =	simm.s32 @p2 $0x1082  }
0x22: {  	[simem:s7], [sflag:s8] =	dma.local @!p0 [hbm:s6], $0xF7A  }
0x23: {  	s9 =	sor.u32 $0xD0000000, s2;
	s6 =	simm.s32 $0x108;
	_ =	swait.ge @!p0 [sflag:s8], $0x0  }
0x24: {  	s3 =	sadd.s32 $0x88, s3;
	s6 =	simm.s32 @!p1 $0x1082;
	[sflag:s4] =	ssyncset.s32 $0xFFFFF086  }
0x25: {  	[simem:s6], [sflag:s4] =	dma.local [hbm:s3], $0xF7A  }
0x26: {  	[smem:$0x3F9C] =	sst s1;
	(tag) =	ssettag s2;
	_ =	strace s9  }
0x27: {  	s1 =	sld [smem:$0x3FAC]  }
0x28: {  	s2 =	sld [smem:$0x3FAD]  }
0x29: {  	s4 =	sld [smem:$0x3FAF]  }
0x2a: {  	p0 =	seq.s32 s5, $0x0;
	s5 =	sld [smem:$0x3FB0]  }
0x2b: {  	s6 =	sld [smem:$0x3FB1]  }
0x2c: {  	s7 =	sld [smem:$0x3FB2]  }
0x2d: {  	s3 =	simm.s32 $0x108;
	s8 =	sld [smem:$0x3FB3]  }
0x2e: {  	s3 =	simm.s32 @!p0 $0x1082;
	s9 =	sld [smem:$0x3FB4]  }
0x2f: {  	lr =	sadd.s32 s0, s3;
	s0 =	sld [smem:$0x3FAB]  }
0x30: {  	s3 =	sld [smem:$0x3FAE]  }
0x31: {  	[smem:$0x3FB7] =	sst s10  }
0x32: {  	s10 =	sld [smem:$0x3FB5];
	_ =	sdelay $0x3  }
0x33: {  	p0 =	seq.s32 s10, $0x1;
	s10 =	sld [smem:$0x3FB7];
	_ =	sdelay $0x3  }
0x34: {  	[smem:$0x3FB7] =	sst s10  }
0x35: {  	s10 =	sld [smem:$0x3FB6];
	_ =	sdelay $0x3  }
0x36: {  	p1 =	seq.s32 s10, $0x1;
	s10 =	sld [smem:$0x3FB7];
	_ =	sdelay $0x3  }
0x37: {  	[smem:$0x3FB7] =	sst s10  }
0x38: {  	s10 =	sld [smem:$0x3FB8]  }
0x39: {  	_ = 	snop;
	(pc) =	sbr.ind lr, $3  }
0x3a: {  	_ = 	snop  }
0x3b: {  	_ = 	snop  }
0x3c: {  	p2 =	seq.s32 s10, $0x1;
	s10 =	sld [smem:$0x3FB7]  }
0x3d: {  	_ =	shalt  }
0x3e: {  	_ =	shalt  }
0x3f: {  	_ =	shalt  }
0x40: {  	_ =	shalt  }
0x41: {  	_ =	shalt  }
0x42: {  	_ =	shalt  }
0x43: {  	_ =	shalt  }
0x44: {  	_ =	shalt  }
0x45: {  	_ =	shalt  }
0x46: {  	_ =	shalt  }
0x47: {  	_ =	shalt  }
0x48: {  	_ =	shalt  }
0x49: {  	_ =	shalt  }
0x4a: {  	_ =	shalt  }
0x4b: {  	_ =	shalt  }
0x4c: {  	_ =	shalt  }
0x4d: {  	_ =	shalt  }
0x4e: {  	_ =	shalt  }
0x4f: {  	_ =	shalt  }
0x50: {  	_ =	shalt  }
0x51: {  	_ =	shalt  }
0x52: {  	_ =	shalt  }
0x53: {  	_ =	shalt  }
0x54: {  	_ =	shalt  }
0x55: {  	_ =	shalt  }
0x56: {  	_ =	shalt  }
0x57: {  	_ =	shalt  }
0x58: {  	_ =	shalt  }
0x59: {  	_ =	shalt  }
0x5a: {  	_ =	shalt  }
0x5b: {  	_ =	shalt  }
0x5c: {  	_ =	shalt  }
0x5d: {  	_ =	shalt  }
0x5e: {  	_ =	shalt  }
0x5f: {  	_ =	shalt  }
0x60: {  	_ =	shalt  }
0x61: {  	_ =	shalt  }
0x62: {  	_ =	shalt  }
0x63: {  	_ =	shalt  }
0x64: {  	_ =	shalt  }
0x65: {  	_ =	shalt  }
0x66: {  	_ =	shalt  }
0x67: {  	_ =	shalt  }
0x68: {  	_ =	shalt  }
0x69: {  	_ =	shalt  }
0x6a: {  	_ =	shalt  }
0x6b: {  	_ =	shalt  }
0x6c: {  	_ =	shalt  }
0x6d: {  	_ =	shalt  }
0x6e: {  	_ =	shalt  }
0x6f: {  	_ =	shalt  }
0x70: {  	_ =	shalt  }
0x71: {  	_ =	shalt  }
0x72: {  	_ =	shalt  }
0x73: {  	_ =	shalt  }
0x74: {  	_ =	shalt  }
0x75: {  	_ =	shalt  }
0x76: {  	_ =	shalt  }
0x77: {  	_ =	shalt  }
0x78: {  	_ =	shalt  }
0x79: {  	_ =	shalt  }
0x7a: {  	_ =	shalt  }
0x7b: {  	_ =	shalt  }
0x7c: {  	_ =	shalt  }
0x7d: {  	_ =	shalt  }
0x7e: {  	_ =	shalt  }
0x7f: {  	_ =	shalt  }
0x80: {  	_ =	shalt  }
0x81: {  	_ =	shalt  }
0x82: {  	_ =	shalt  }
0x83: {  	_ =	shalt  }
0x84: {  	_ =	shalt  }
0x85: {  	_ =	shalt  }
0x86: {  	_ =	shalt  }
0x87: {  	_ =	shalt  }
.Lfunc_end0:
.L_simem_size_0:
called_computation.1_lowered:
.L_overlay_start_0:
0x88: {  	s2 =	sld [smem:$0x3FD9]  }
0x89: {  	s3 =	sld [smem:$0x3FFE];
	_ =	sdelay $0x1  }
0x8a: {  	s1 =	srdreg.scid  }
0x8b: {  	s0 =	sand.u32 $0x1, s1  }
0x8c: {  	s17 =	sshll.u32 s0, $0xA;
	s2 =	sadd.s32 s3, s2  }
0x8d: {  	s2 =	sadd.s32 s2, s17  }
0x8e: {  	[smem:$0x3FC3] =	sst s2  }
0x8f: {  	_ = 	snop  }
0x90: {  	s2 =	sld [smem:$0x3FD0];
	(tm) =	ssettm $0x1  }
0x91: {  	s18 =	sld [smem:$0x3FFB];
	_ =	sdelay $0x3  }
0x92: {  	_ =	strace s18  }
0x93: {  	s3 =	sld [smem:$0x3FFC];
	_ =	sdelay $0x3  }
0x94: {  	_ =	strace s3  }
0x95: {  	s3 =	sld [smem:$0x3FFD];
	_ =	sdelay $0x3  }
0x96: {  	_ =	strace s3  }
0x97: {  	_ =	strace $0x8FFFFFFF  }
0x98: {  	s19 =	sld [smem:$0x3FDB];
	_ =	sdelay $0x1  }
0x99: {  	s4 =	simm.s32 $_scs_section_size  }
0x9a: {  	s5 =	simm.s32 $_size__tile_overlayer_lowered;
	s6 =	simm.s32 $_tile_overlayer_lowered  }
0x9b: {  	s22 =	simm.s32 $0x1BFF;
	s21 =	sshll.u32 s6, $0x1;
	s3 =	sadd.s32 s4, s19  }
0x9c: {  	s7 =	simm.s32 $0x0;
	s20 =	sshll.u32 s5, $0x1;
	s5 =	sadd.s32 s21, s3  }
0x9d: {  	[timem:s7], [sflag:s22] =	dma.local [hbm:s5], s20  }
0x9e: {  	_ =	swait.ge [sflag:s22], s20  }
0x9f: {  	s4 =	ssub.s32 $0x0, s20;
	[sflag:s22] =	ssyncset.done $0x0  }
0xa0: {  	[sflag:s22] =	ssyncadd.s32 s4;
	_ =	sdelay $0x1  }
0xa1: {  	s23 =	simm.s32 $0x1B8B  }
0xa2: {  	_ =	swait.ge [sflag:s23], $0x1  }
0xa3: {  	[sflag:s23] =	ssyncset.done $0x0  }
0xa4: {  	s25 =	simm.s32 $0x1B8E;
	s24 =	sld [smem:$0x3FFE];
	[sflag:s23] =	ssyncadd.s32 $0xFFFFFFFF  }
0xa5: {  	s26 =	simm.s32 $execute0_lowered;
	[smem:$0x3FD2] =	sst s25  }
0xa6: {  	s5 =	sshll.u32 s26, $0x1;
	_ =	strace $0x80000049;
	[dreg:$0x1] =	wrdreg $0xFFFFFFFF  }
0xa7: {  	s28 =	simm.s32 $_size_execute0_lowered;
	s3 =	sadd.s32 s3, s5;
	[dreg:$0x0] =	wrdreg $0x0  }
0xa8: {  	s5 =	sshll.u32 s28, $0x1;
	[dreg:$0x2] =	wrdreg s3  }
0xa9: {  	[dreg:$0x3] =	wrdreg s5  }
0xaa: {  	[dreg:$0x4] =	wrdreg $0xC0  }
0xab: {  	_ =	task [dreg:s7], $0x5FFFF  }
0xac: {  	[dreg:$0x1] =	wrdreg $0xFFFFFFFF  }
0xad: {  	[dreg:$0x0] =	wrdreg $0x60  }
0xae: {  	[dreg:$0x2] =	wrdreg s2  }
0xaf: {  	[dreg:$0x3] =	wrdreg s24  }
0xb0: {  	[dreg:$0x4] =	wrdreg $0x9  }
0xb1: {  	_ =	task.clear_ibuf [dreg:s7], $0x5FFFF;
	_ =	strace $0x90000049  }
0xb2: {  	s29 =	simm.s32 $0x9;
	_ =	strace $0x8000004B  }
0xb3: {  	_ =	swait.ge [sflag:s29], $0x1  }
0xb4: {  	[sflag:s29] =	ssyncadd.s32 $0xFFFFFFFF  }
0xb5: {  	_ =	strace $0x9000004B  }
0xb6: {  	_ =	sfence  }
0xb7: {  	s30 =	sld [smem:$0x0];
	_ =	sdelay $0x2  }
0xb8: {  	s31 =	sshll.u32 s1, $0xD;
	s1 =	sshrl.u32 s1, $0x2  }
0xb9: {  	s3 =	sand.u32 $0x4000, s31;
	s1 =	sadd.s32 s1, s30  }
0xba: {  	s0 =	sor.u32 s3, s0;
	s1 =	sshll.u32 s1, $0x11  }
0xbb: {  	s0 =	sor.u32 s1, s0  }
0xbc: {  	s0 =	sadd.s32 $0x8F2B, s0  }
0xbd: {  	[sflag:s0] =	ssyncadd.remote.s32 $0x1  }
0xbe: {  	_ =	sfence.sel $0xFFFF  }
0xbf: {  	[dreg:$0x0] =	wrdreg $0xFFFFFFFF;
	(pc) =	sbr.abs _section_cstart, $3  }
0xc0: {  	[dreg:$0x1] =	wrdreg $0xFFFFFFFF  }
0xc1: {  	_ =	task.clear_ibuf [dreg:s7], $0x2FFFF;
	_ =	strace $0x9FFFFFFF  }
0xc2: {  	(tm) =	ssettm $0x7FFFFFFF  }
0xc3: {  	_ =	shalt  }
tec
execute0_lowered:
.L_overlay_start_1:
0x0: {  	(tag) =	ssettag $0x1  }
0x1: {  	s1 =	srdreg.scid  }
0x2: {  	s0 =	stileid.u32;
	s2 =	rddreg [dreg:$0x0]  }
0x3: {  	s5 =	rddreg [dreg:$0x1];
	s18 =	simm.s32 $0x880;
	s19 =	simm.s32 $0x1080  }
0x4: {  	s20 =	simm.s32 $0x1880;
	s22 =	simm.s32 $0x2080;
	s23 =	simm.s32 $0x2880  }
0x5: {  	s24 =	simm.s32 $0x3080;
	s7 =	simm.s32 $0x3880;
	s8 =	simm.s32 $0x4080  }
0x6: {  	s25 =	simm.s32 $0x4880;
	s26 =	simm.s32 $0x5080;
	s1 =	sand.u32 $0x1, s1  }
0x7: {  	s9 =	simm.s32 $0x80;
	s3 =	sshll.u32 s0, $0x7;
	s4 =	sshll.u32 s1, $0x6  }
0x8: {  	s11 =	simm.s32 $0x6080;
	s4 =	sor.u32 s4, s3;
	s3 =	simm.s32 $0x0  }
0x9: {  	s12 =	simm.s32 $0x6880;
	s13 =	simm.s32 $0x7080;
	[smem:$0x7FF] =	sst s3  }
0xa: {  	s14 =	simm.s32 $0x7880;
	_ =	strace $0x8000004A;
	[dreg:$0x5] =	wrdreg s18  }
0xb: {  	s15 =	simm.s32 $0x8080;
	s16 =	simm.s32 $0x8880;
	[dreg:$0x6] =	wrdreg s19  }
0xc: {  	s28 =	simm.s32 $0xE080;
	s29 =	simm.s32 $0xE880;
	[dreg:$0x7] =	wrdreg s20  }
0xd: {  	s30 =	simm.s32 $0xF080;
	s1 =	ssub.s32 $0x2, s1;
	[dreg:$0x8] =	wrdreg s22  }
0xe: {  	s31 =	simm.s32 $0xF880;
	s21 =	sshrl.u32 s1, $0x1;
	[dreg:$0x9] =	wrdreg s23  }
0xf: {  	s6 =	sshrl.u32 s4, $0x3;
	s4 =	sshll.u32 s4, $0x7;
	[dreg:$0xa] =	wrdreg s24  }
0x10: {  	s1 =	ssub.s32 s1, s21;
	s21 =	simm.s32 $0xB080;
	[dreg:$0xb] =	wrdreg s7  }
0x11: {  	s6 =	sadd.s32 s6, s5;
	s4 =	sadd.s32 s4, s5;
	[dreg:$0xc] =	wrdreg s8  }
0x12: {  	s5 =	sadd.s32 $0x200, s2;
	s7 =	smax.u32 s1, $0x1;
	[dreg:$0xd] =	wrdreg s25  }
0x13: {  	s8 =	simm.s32 $0x2;
	[dreg:$0xe] =	wrdreg s26;
	s18 =	simm.s32 $0x9880  }
0x14: {  	s19 =	simm.s32 $0xA080;
	s20 =	simm.s32 $0xA880;
	s22 =	simm.s32 $0xB880  }
0x15: {  	s23 =	simm.s32 $0xC080;
	s24 =	simm.s32 $0xC880;
	s25 =	simm.s32 $0xD080  }
0x16: {  	v2 =	vlaneseq.u32;
	s26 =	simm.s32 $0xD880;
	s1 =	simm.s32 $0x1;
	s17 =	sadd.s32 $0xC00, s6  }
0x17: {  	vm0 =	vmmov $0xffff;
	v1 =	vshrl.u32 v2, $0x3;
	s4 =	sadd.s32 $0xE00, s4;
	s6 =	sadd.s32 $0x300, s2;
	[dreg:$0x3] =	wrdreg s17  }
0x18: {  	v0 =	vand.u32 $0x7, v2;
	v2 =	vor.u32 $0x8, v2;
	v1 =	vmul.u32 $0x8, v1;
	[dreg:$0x4] =	wrdreg s4;
	s4 =	sadd.s32 $0x100, s2;
	s17 =	simm.s32 $0x9080  }
.LBB2_1:
0x19: {  	s0 =	rddreg [dreg:$0x3]  }
0x1a: {  	[tilespmem:s3], [sflag:$0x2] =	stream.linear.gather [hbm4b:s0+s3], $0x40, $0x38;
	[tilespmem:$0x10080] =	vst v63  }
0x1b: {  	_ =	swait.ge [sflag:s8], $0x40  }
0x1c: {  	[sflag:s8] =	ssyncset.done $0x0  }
0x1d: {  	[sflag:s8] =	ssyncadd.s32 $0xFFFFFFC0  }
0x1e: {  	v3 =	vld [tilespmem:$0x0];
	_ =	sdelay $0x4  }
0x1f: {  	v4 =	vshll.u32 v3, $0x3  }
0x20: {  	v3 =	vand.u32 $0x7, v3;
	v4 =	vand.u32 $0xFFFFFFC0, v4  }
0x21: {  	v3 =	vor.u32 v3, v4  }
0x22: {  	v4 =	vperm.xlane v3, v0;
	_ =	sdelay $0x1  }
0x23: {  	v4 =	vadd.s32 v1, v4;
	_ =	sdelay $0x4  }
0x24: {  	[tilespmem:s9], [sflag:$0x1] =	stream.indirect_vreg.gather [hbm4b:s2+s3], $0x80, v4, vm0, $0xb8;
	[tilespmem:$0x10080] =	vst v63  }
0x25: {  	s0 =	rddreg [dreg:$0x5];
	v3 =	vperm.xlane v3, v2  }
0x26: {  	[tilespmem:s0], [sflag:$0x1] =	stream.indirect_vreg.gather [hbm4b:s4+s3], $0x80, v4, vm0, $0xb8;
	[tilespmem:$0x10080] =	vst v63  }
0x27: {  	s10 =	rddreg [dreg:$0x6];
	v3 =	vadd.s32 v1, v3  }
0x28: {  	[tilespmem:s10], [sflag:$0x1] =	stream.indirect_vreg.gather [hbm4b:s5+s3], $0x80, v4, vm0, $0xb8;
	[tilespmem:$0x10080] =	vst v63  }
0x29: {  	s0 =	rddreg [dreg:$0x7]  }
0x2a: {  	[tilespmem:s0], [sflag:$0x1] =	stream.indirect_vreg.gather [hbm4b:s6+s3], $0x80, v4, vm0, $0xb8;
	[tilespmem:$0x10080] =	vst v63  }
0x2b: {  	s10 =	rddreg [dreg:$0x8]  }
0x2c: {  	[tilespmem:s10], [sflag:$0x1] =	stream.indirect_vreg.gather [hbm4b:s2+s3], $0x80, v3, vm0, $0xb8;
	[tilespmem:$0x10080] =	vst v63  }
0x2d: {  	s0 =	rddreg [dreg:$0x9]  }
0x2e: {  	[tilespmem:s0], [sflag:$0x1] =	stream.indirect_vreg.gather [hbm4b:s4+s3], $0x80, v3, vm0, $0xb8;
	[tilespmem:$0x10080] =	vst v63  }
0x2f: {  	s10 =	rddreg [dreg:$0xa]  }
0x30: {  	[tilespmem:s10], [sflag:$0x1] =	stream.indirect_vreg.gather [hbm4b:s5+s3], $0x80, v3, vm0, $0xb8;
	[tilespmem:$0x10080] =	vst v63  }
0x31: {  	s0 =	rddreg [dreg:$0xb]  }
0x32: {  	[tilespmem:s0], [sflag:$0x1] =	stream.indirect_vreg.gather [hbm4b:s6+s3], $0x80, v3, vm0, $0xb8;
	[tilespmem:$0x10080] =	vst v63  }
0x33: {  	v3 =	vld [tilespmem:$0x10];
	_ =	sdelay $0x4  }
0x34: {  	v61 =	vshll.u32 v3, $0x3  }
0x35: {  	v3 =	vand.u32 $0x7, v3;
	v4 =	vand.u32 $0xFFFFFFC0, v61  }
0x36: {  	v3 =	vor.u32 v3, v4  }
0x37: {  	v4 =	vperm.xlane v3, v0;
	_ =	sdelay $0x1  }
0x38: {  	v4 =	vadd.s32 v1, v4;
	_ =	sdelay $0x3  }
0x39: {  	s0 =	rddreg [dreg:$0xc]  }
0x3a: {  	[tilespmem:s0], [sflag:$0x1] =	stream.indirect_vreg.gather [hbm4b:s2+s3], $0x80, v4, vm0, $0xb8;
	[tilespmem:$0x10080] =	vst v63  }
0x3b: {  	s10 =	rddreg [dreg:$0xd];
	v3 =	vperm.xlane v3, v2  }
0x3c: {  	[tilespmem:s10], [sflag:$0x1] =	stream.indirect_vreg.gather [hbm4b:s4+s3], $0x80, v4, vm0, $0xb8;
	[tilespmem:$0x10080] =	vst v63  }
0x3d: {  	v3 =	vadd.s32 v1, v3;
	s0 =	rddreg [dreg:$0xe]  }
0x3e: {  	[tilespmem:s0], [sflag:$0x1] =	stream.indirect_vreg.gather [hbm4b:s5+s3], $0x80, v4, vm0, $0xb8;
	[tilespmem:$0x10080] =	vst v63  }
0x3f: {  	s10 =	simm.s32 $0x5880  }
0x40: {  	[tilespmem:s10], [sflag:$0x1] =	stream.indirect_vreg.gather [hbm4b:s6+s3], $0x80, v4, vm0, $0xb8;
	[tilespmem:$0x10080] =	vst v63  }
0x41: {  	_ = 	snop  }
0x42: {  	[tilespmem:s11], [sflag:$0x1] =	stream.indirect_vreg.gather [hbm4b:s2+s3], $0x80, v3, vm0, $0xb8;
	[tilespmem:$0x10080] =	vst v63  }
0x43: {  	_ = 	snop  }
0x44: {  	[tilespmem:s12], [sflag:$0x1] =	stream.indirect_vreg.gather [hbm4b:s4+s3], $0x80, v3, vm0, $0xb8;
	[tilespmem:$0x10080] =	vst v63  }
0x45: {  	_ = 	snop  }
0x46: {  	[tilespmem:s13], [sflag:$0x1] =	stream.indirect_vreg.gather [hbm4b:s5+s3], $0x80, v3, vm0, $0xb8;
	[tilespmem:$0x10080] =	vst v63  }
0x47: {  	_ = 	snop  }
0x48: {  	[tilespmem:s14], [sflag:$0x1] =	stream.indirect_vreg.gather [hbm4b:s6+s3], $0x80, v3, vm0, $0xb8;
	[tilespmem:$0x10080] =	vst v63  }
0x49: {  	v3 =	vld [tilespmem:$0x20];
	_ =	sdelay $0x4  }
0x4a: {  	v62 =	vshll.u32 v3, $0x3  }
0x4b: {  	v3 =	vand.u32 $0x7, v3;
	v4 =	vand.u32 $0xFFFFFFC0, v62  }
0x4c: {  	v3 =	vor.u32 v3, v4  }
0x4d: {  	v4 =	vperm.xlane v3, v0;
	_ =	sdelay $0x1  }
0x4e: {  	v4 =	vadd.s32 v1, v4;
	_ =	sdelay $0x4  }
0x4f: {  	[tilespmem:s15], [sflag:$0x1] =	stream.indirect_vreg.gather [hbm4b:s2+s3], $0x80, v4, vm0, $0xb8;
	[tilespmem:$0x10080] =	vst v63  }
0x50: {  	v3 =	vperm.xlane v3, v2  }
0x51: {  	[tilespmem:s16], [sflag:$0x1] =	stream.indirect_vreg.gather [hbm4b:s4+s3], $0x80, v4, vm0, $0xb8;
	[tilespmem:$0x10080] =	vst v63  }
0x52: {  	v3 =	vadd.s32 v1, v3  }
0x53: {  	[tilespmem:s17], [sflag:$0x1] =	stream.indirect_vreg.gather [hbm4b:s5+s3], $0x80, v4, vm0, $0xb8;
	[tilespmem:$0x10080] =	vst v63  }
0x54: {  	_ = 	snop  }
0x55: {  	[tilespmem:s18], [sflag:$0x1] =	stream.indirect_vreg.gather [hbm4b:s6+s3], $0x80, v4, vm0, $0xb8;
	[tilespmem:$0x10080] =	vst v63  }
0x56: {  	_ = 	snop  }
0x57: {  	[tilespmem:s19], [sflag:$0x1] =	stream.indirect_vreg.gather [hbm4b:s2+s3], $0x80, v3, vm0, $0xb8;
	[tilespmem:$0x10080] =	vst v63  }
0x58: {  	_ = 	snop  }
0x59: {  	[tilespmem:s20], [sflag:$0x1] =	stream.indirect_vreg.gather [hbm4b:s4+s3], $0x80, v3, vm0, $0xb8;
	[tilespmem:$0x10080] =	vst v63  }
0x5a: {  	_ = 	snop  }
0x5b: {  	[tilespmem:s21], [sflag:$0x1] =	stream.indirect_vreg.gather [hbm4b:s5+s3], $0x80, v3, vm0, $0xb8;
	[tilespmem:$0x10080] =	vst v63  }
0x5c: {  	_ = 	snop  }
0x5d: {  	[tilespmem:s22], [sflag:$0x1] =	stream.indirect_vreg.gather [hbm4b:s6+s3], $0x80, v3, vm0, $0xb8;
	[tilespmem:$0x10080] =	vst v63  }
0x5e: {  	v3 =	vld [tilespmem:$0x30];
	_ =	sdelay $0x4  }
0x5f: {  	v63 =	vshll.u32 v3, $0x3  }
0x60: {  	v3 =	vand.u32 $0x7, v3;
	v4 =	vand.u32 $0xFFFFFFC0, v63  }
0x61: {  	v3 =	vor.u32 v3, v4  }
0x62: {  	v4 =	vperm.xlane v3, v0;
	_ =	sdelay $0x1  }
0x63: {  	v4 =	vadd.s32 v1, v4;
	_ =	sdelay $0x4  }
0x64: {  	[tilespmem:s23], [sflag:$0x1] =	stream.indirect_vreg.gather [hbm4b:s2+s3], $0x80, v4, vm0, $0xb8;
	[tilespmem:$0x10080] =	vst v63  }
0x65: {  	v3 =	vperm.xlane v3, v2  }
0x66: {  	[tilespmem:s24], [sflag:$0x1] =	stream.indirect_vreg.gather [hbm4b:s4+s3], $0x80, v4, vm0, $0xb8;
	[tilespmem:$0x10080] =	vst v63  }
0x67: {  	v3 =	vadd.s32 v1, v3  }
0x68: {  	[tilespmem:s25], [sflag:$0x1] =	stream.indirect_vreg.gather [hbm4b:s5+s3], $0x80, v4, vm0, $0xb8;
	[tilespmem:$0x10080] =	vst v63  }
0x69: {  	_ = 	snop  }
0x6a: {  	[tilespmem:s26], [sflag:$0x1] =	stream.indirect_vreg.gather [hbm4b:s6+s3], $0x80, v4, vm0, $0xb8;
	[tilespmem:$0x10080] =	vst v63  }
0x6b: {  	_ = 	snop  }
0x6c: {  	[tilespmem:s28], [sflag:$0x1] =	stream.indirect_vreg.gather [hbm4b:s2+s3], $0x80, v3, vm0, $0xb8;
	[tilespmem:$0x10080] =	vst v63  }
0x6d: {  	_ = 	snop  }
0x6e: {  	[tilespmem:s29], [sflag:$0x1] =	stream.indirect_vreg.gather [hbm4b:s4+s3], $0x80, v3, vm0, $0xb8;
	[tilespmem:$0x10080] =	vst v63  }
0x6f: {  	_ = 	snop  }
0x70: {  	[tilespmem:s30], [sflag:$0x1] =	stream.indirect_vreg.gather [hbm4b:s5+s3], $0x80, v3, vm0, $0xb8;
	[tilespmem:$0x10080] =	vst v63  }
0x71: {  	_ = 	snop  }
0x72: {  	[tilespmem:s31], [sflag:$0x1] =	stream.indirect_vreg.gather [hbm4b:s6+s3], $0x80, v3, vm0, $0xb8;
	[tilespmem:$0x10080] =	vst v63  }
0x73: {  	_ =	swait.ge [sflag:s1], $0x10000  }
0x74: {  	p0 =	sne.s32 s7, $0x1;
	[sflag:s1] =	ssyncset.done $0x0  }
.Ltmp0:
0x75: {  	s10 =	rddreg [dreg:$0x4];
	[sflag:s1] =	ssyncadd.s32 $0xFFFF0000;
	(pc) =	sbr.rel @p0 .LBB2_1-.Ltmp0, $4  }
0x76: {  	[hbm4b:s10+s3] =	stream.linear.scatter [tilespmem:s9], [sflag:$0x2], $0x10000, $0x38;
	[tilespmem:$0x10080] =	vst v63  }
0x77: {  	_ =	swait.ge [sflag:s8], $0x10000  }
0x78: {  	[sflag:s8] =	ssyncset.done $0x0  }
0x79: {  	s7 =	sadd.s32 $0xFFFFFFFF, s7;
	[sflag:s8] =	ssyncadd.s32 $0xFFFF0000  }
0x7a: {  	_ =	sfence.sel $0x180000  }
0x7b: {  	[bflag:$0x0] =	sbarrier.arrive $0xFFFF  }
0x7c: {  	_ =	strace $0x9000004A  }
0x7d: {  	s0 =	stileid.u32;
	[bflag:$0x2] =	sbarrier.arrive $0xFFFF  }
0x7e: {  	p0 =	sne.s32 s0, $0x0;
	s0 =	rddreg [dreg:$0x2]  }
0x7f: {  	s0 =	sadd.s32 @!p0 $0x100000, s0  }
0x80: {  	[sflag:s0] =	ssyncadd.tile.s32 @!p0 $0x1;
	_ =	shalt  }
.Lfunc_end2:
_tile_overlayer_lowered:
.L_overlay_start_2:
0x81: {  	(tag) =	ssettag $0x2  }
0x82: {  	s0 =	rddreg [dreg:$0x0];
	s2 =	stileid.u32  }
0x83: {  	s1 =	rddreg [dreg:$0x1];
	p0 =	sne.s32 s2, $0x0  }
0x84: {  	s3 =	rddreg [dreg:$0x2];
	[bflag:$0x3] =	sbarrier.arrive $0xFFFF;
	s2 =	simm.s32 @!p0 $0x1C02  }
0x85: {  	[timem:s3], [sflag:s2] =	dma.local @!p0 [hbm:s0], s1  }
0x86: {  	s0 =	simm.s32 @!p0 $0x2  }
0x87: {  	_ =	swait.ge @!p0 [sflag:s0], s1  }
0x88: {  	s1 =	ssub.s32 @!p0 $0x0, s1;
	[sflag:s0] =	ssyncset.done @!p0 $0x0  }
0x89: {  	[sflag:s0] =	ssyncadd.s32 @!p0 s1  }
0x8a: {  	[bflag:$0x3] =	sbarrier.arrive $0xFFFF  }
0x8b: {  	_ =	shalt  }

</sc_bundles>
